<compile_context>
chip_gen: v7x
topology: tpu7x:2x2x1
jax: 0.10.2.dev20260603
libtpu: 0.0.44.dev20260713+nightly
codegen_flags: <defaults>
</compile_context>

<pallas_src>
import functools

import jax
import jax.numpy as jnp
from jax import lax
from jax.experimental import pallas as pl
from jax.experimental.pallas import tpu as pltpu
from jax.experimental.pallas import tpu_sc as plsc

B, T = 64, 128
N = B * T
EMB, HID, K, CONT, V0, V1, CED = 256, 128, 8192, 16, 32, 64, 6

MT = 512
NT = N // MT
RT = MT // T
KC = 2048
KP = 1024
MD = 1024
ND = N // MD


def _dot(a, b, dims=None):
    if dims is None:
        dims = (((1,), (0,)), ((), ()))
    return lax.dot_general(a, b, dims, precision=lax.Precision.DEFAULT,
                           preferred_element_type=jnp.float32)


def _sel(a, b, dims=None):
    if dims is None:
        dims = (((1,), (0,)), ((), ()))
    return lax.dot_general(a, b, dims, precision=lax.Precision.HIGHEST,
                           preferred_element_type=jnp.float32)


def _nf_body(naipf_ref, convwf_ref, convb_ref, npw_ref, npb_ref, o_ref):
    naipf = jnp.nan_to_num(naipf_ref[...], nan=0.0, posinf=0.0, neginf=0.0)
    feat = _dot(naipf, convwf_ref[...], (((1,), (1,)), ((), ())))
    feat = jnp.maximum(feat + convb_ref[...], 0.0)
    o_ref[...] = _dot(feat, npw_ref[...]) + npb_ref[...]


def _cbb_body(cb_ref, w_ref, b_ref, cbb_ref):
    cbb_ref[...] = _dot(cb_ref[...], w_ref[...]) + b_ref[...]


def _enc_body(cont_ref, cat_ref, nf_ref, emb0_ref, emb1_ref, cpw_ref, cpb_ref,
              kw_ref, kb_ref, f1w_ref, f1b_ref, f2w_ref, f2b_ref, z_ref):
    cont = jnp.nan_to_num(cont_ref[...], nan=0.0, posinf=0.0, neginf=0.0)
    cont_h = _dot(cont, cpw_ref[...]) + cpb_ref[...]

    cat = cat_ref[...]
    oh0 = (cat[:, 0:1] == lax.broadcasted_iota(jnp.int32, (MT, V0), 1)
           ).astype(jnp.float32)
    oh1 = (cat[:, 1:2] == lax.broadcasted_iota(jnp.int32, (MT, V1), 1)
           ).astype(jnp.float32)
    e0 = _sel(oh0, emb0_ref[...])
    e1 = _sel(oh1, emb1_ref[...])
    cat_h = _dot(jnp.concatenate([e0, e1], axis=1), kw_ref[...]) + kb_ref[...]

    na = jnp.broadcast_to(nf_ref[...], (RT, T, HID)).reshape(MT, HID)

    fused = jnp.concatenate([na, cont_h, cat_h], axis=1)
    h1 = jnp.maximum(_dot(fused, f1w_ref[...]) + f1b_ref[...], 0.0)
    z_ref[...] = _dot(h1, f2w_ref[...]) + f2b_ref[...]


def _vq_body(z_ref, z2_ref, c2_ref, cb_ref, idx_ref, dl_ref):
    z = z_ref[...]
    z2 = z2_ref[...]
    run_min = jnp.full((MT, 1), jnp.inf, jnp.float32)
    run_arg = jnp.zeros((MT, 1), jnp.int32)
    for c in range(K // KC):
        cbc = cb_ref[pl.ds(c * KC, KC), :]
        scores = _dot(z, cbc, (((1,), (1,)), ((), ())))
        d = (z2 + c2_ref[0:1, pl.ds(c * KC, KC)]) - 2.0 * scores
        cmin = jnp.min(d, axis=1, keepdims=True)
        lane = lax.broadcasted_iota(jnp.int32, (MT, KC), 1)
        carg = jnp.min(jnp.where(d == cmin, lane, K), axis=1,
                       keepdims=True) + c * KC
        upd = cmin < run_min
        run_min = jnp.where(upd, cmin, run_min)
        run_arg = jnp.where(upd, carg, run_arg)
    idx_ref[0] = run_arg
    dl_ref[...] = jnp.sum(run_min).reshape(1, 1, 1)


def _stat_body(idx_ref, dl_ref, perp_ref, loss_ref):
    idx = idx_ref[...]
    hi = idx // 128
    lo = idx - hi * 128
    hi_oh = (hi == lax.broadcasted_iota(jnp.int32, (N, K // 128), 1)
             ).astype(jnp.float32)
    lo_oh = (lo == lax.broadcasted_iota(jnp.int32, (N, 128), 1)
             ).astype(jnp.float32)
    counts = _dot(hi_oh, lo_oh, (((0,), (0,)), ((), ())))
    p = counts / N
    ent = jnp.sum(p * jnp.log(p + 1e-12))
    perp_ref[...] = jnp.exp(-ent).reshape(1, 1)
    loss_ref[...] = (jnp.sum(dl_ref[...]) * (1.25 / (N * EMB))).reshape(1, 1)


def _dec_body(g_ref, b2w_ref, b2b_ref, chw_ref, chb_ref, c0w_ref, c0b_ref,
              c1w_ref, c1b_ref, sel_ref, co_ref, k0_ref, k1_ref, hl_ref):
    g = jnp.maximum(g_ref[...], 0.0)
    h = jnp.maximum(_dot(g, b2w_ref[...]) + b2b_ref[...], 0.0)
    co_ref[...] = _dot(h, chw_ref[...]) + chb_ref[...]
    k0_ref[...] = _dot(h, c0w_ref[...]) + c0b_ref[...]
    k1_ref[...] = _dot(h, c1w_ref[...]) + c1b_ref[...]
    hl_ref[...] = _sel(sel_ref[...], h)


def _can_body(hl_ref, w1_ref, b1_ref, w2_ref, b2_ref, o_ref):
    r = jnp.maximum(_dot(hl_ref[...], w1_ref[...]) + b1_ref[...], 0.0)
    o_ref[...] = _dot(r, w2_ref[...]) + b2_ref[...]


_NW = 32
_BW = N // _NW


def _sc_gather(cbb, idx_flat):
    mesh = plsc.VectorSubcoreMesh(core_axis_name="c", subcore_axis_name="s")

    @functools.partial(
        pl.kernel, mesh=mesh,
        out_type=jax.ShapeDtypeStruct((N, HID), jnp.float32),
        scratch_types=[
            pltpu.VMEM((_BW,), jnp.int32),
            pltpu.VMEM((_BW, HID), jnp.float32),
            pltpu.VMEM_SHARED((K, HID), jnp.float32),
            pltpu.SemaphoreType.DMA,
        ],
    )
    def kern(table_hbm, idx_hbm, out_hbm, idx_v, rows_v, table_sh, sem):
        @pl.when(lax.axis_index("s") == 0)
        def _():
            pltpu.sync_copy(table_hbm, table_sh)

        plsc.subcore_barrier()
        wid = lax.axis_index("s") * 2 + lax.axis_index("c")
        base = wid * _BW
        pltpu.sync_copy(idx_hbm.at[pl.ds(base, _BW)], idx_v)
        pltpu.async_copy(table_sh.at[idx_v], rows_v, sem).wait()
        pltpu.sync_copy(rows_v, out_hbm.at[pl.ds(base, _BW)])

    return kern(cbb, idx_flat)


def kernel(cont, cat, naip, emb0, emb1, conv_w, conv_b, naip_proj_w,
           naip_proj_b, cont_proj_w, cont_proj_b, cat_proj_w, cat_proj_b,
           fuse1_w, fuse1_b, fuse2_w, fuse2_b, codebook, bb1_w, bb1_b,
           bb2_w, bb2_b, cont_head_w, cont_head_b, cat0_w, cat0_b,
           cat1_w, cat1_b, can1_w, can1_b, can2_w, can2_b):
    f32 = jnp.float32
    row = lambda v: v.reshape(1, -1)

    nf = pl.pallas_call(
        _nf_body,
        out_shape=jax.ShapeDtypeStruct((B, HID), f32),
    )(naip.reshape(B, 9), conv_w.reshape(HID, 9), row(conv_b),
      naip_proj_w, row(naip_proj_b))

    cbb = pl.pallas_call(
        _cbb_body,
        grid=(K // KP,),
        in_specs=[
            pl.BlockSpec((KP, EMB), lambda i: (i, 0)),
            pl.BlockSpec((EMB, HID), lambda i: (0, 0)),
            pl.BlockSpec((1, HID), lambda i: (0, 0)),
        ],
        out_specs=pl.BlockSpec((KP, HID), lambda i: (i, 0)),
        out_shape=jax.ShapeDtypeStruct((K, HID), f32),
        compiler_params=pltpu.CompilerParams(
            dimension_semantics=("parallel",)),
    )(codebook, bb1_w, row(bb1_b))

    z_e = pl.pallas_call(
        _enc_body,
        grid=(NT,),
        in_specs=[
            pl.BlockSpec((MT, CONT), lambda i: (i, 0)),
            pl.BlockSpec((MT, 2), lambda i: (i, 0)),
            pl.BlockSpec((RT, 1, HID), lambda i: (i, 0, 0)),
            pl.BlockSpec((V0, CED), lambda i: (0, 0)),
            pl.BlockSpec((V1, CED), lambda i: (0, 0)),
            pl.BlockSpec((CONT, HID), lambda i: (0, 0)),
            pl.BlockSpec((1, HID), lambda i: (0, 0)),
            pl.BlockSpec((2 * CED, HID), lambda i: (0, 0)),
            pl.BlockSpec((1, HID), lambda i: (0, 0)),
            pl.BlockSpec((3 * HID, HID), lambda i: (0, 0)),
            pl.BlockSpec((1, HID), lambda i: (0, 0)),
            pl.BlockSpec((HID, EMB), lambda i: (0, 0)),
            pl.BlockSpec((1, EMB), lambda i: (0, 0)),
        ],
        out_specs=pl.BlockSpec((MT, EMB), lambda i: (i, 0)),
        out_shape=jax.ShapeDtypeStruct((N, EMB), f32),
        compiler_params=pltpu.CompilerParams(
            dimension_semantics=("parallel",)),
    )(cont.reshape(N, CONT), cat.reshape(N, 2), nf.reshape(B, 1, HID),
      emb0, emb1, cont_proj_w, row(cont_proj_b), cat_proj_w, row(cat_proj_b),
      fuse1_w, row(fuse1_b), fuse2_w, row(fuse2_b))

    z2 = (z_e ** 2).sum(1, keepdims=True)
    c2 = (codebook ** 2).sum(1).reshape(1, K)

    idx3, dloss = pl.pallas_call(
        _vq_body,
        grid=(NT,),
        in_specs=[
            pl.BlockSpec((MT, EMB), lambda i: (i, 0)),
            pl.BlockSpec((MT, 1), lambda i: (i, 0)),
            pl.BlockSpec((1, K), lambda i: (0, 0)),
            pl.BlockSpec((K, EMB), lambda i: (0, 0)),
        ],
        out_specs=[
            pl.BlockSpec((1, MT, 1), lambda i: (i, 0, 0)),
            pl.BlockSpec((1, 1, 1), lambda i: (i, 0, 0)),
        ],
        out_shape=[
            jax.ShapeDtypeStruct((NT, MT, 1), jnp.int32),
            jax.ShapeDtypeStruct((NT, 1, 1), f32),
        ],
        compiler_params=pltpu.CompilerParams(
            dimension_semantics=("parallel",)),
    )(z_e, z2, c2, codebook)

    idx_flat = idx3.reshape(N)

    g = _sc_gather(cbb, idx_flat)

    perp, vq_loss = pl.pallas_call(
        _stat_body,
        out_shape=[
            jax.ShapeDtypeStruct((1, 1), f32),
            jax.ShapeDtypeStruct((1, 1), f32),
        ],
    )(idx_flat.reshape(N, 1), dloss)

    sel = (jnp.arange(MD)[None, :] ==
           (jnp.arange(MD // T) * T + (T - 1))[:, None]).astype(f32)
    cont_out, cat0, cat1, h_last = pl.pallas_call(
        _dec_body,
        grid=(ND,),
        in_specs=[
            pl.BlockSpec((MD, HID), lambda i: (i, 0)),
            pl.BlockSpec((HID, HID), lambda i: (0, 0)),
            pl.BlockSpec((1, HID), lambda i: (0, 0)),
            pl.BlockSpec((HID, CONT), lambda i: (0, 0)),
            pl.BlockSpec((1, CONT), lambda i: (0, 0)),
            pl.BlockSpec((HID, V0), lambda i: (0, 0)),
            pl.BlockSpec((1, V0), lambda i: (0, 0)),
            pl.BlockSpec((HID, V1), lambda i: (0, 0)),
            pl.BlockSpec((1, V1), lambda i: (0, 0)),
            pl.BlockSpec((MD // T, MD), lambda i: (0, 0)),
        ],
        out_specs=[
            pl.BlockSpec((MD, CONT), lambda i: (i, 0)),
            pl.BlockSpec((MD, V0), lambda i: (i, 0)),
            pl.BlockSpec((MD, V1), lambda i: (i, 0)),
            pl.BlockSpec((MD // T, HID), lambda i: (i, 0)),
        ],
        out_shape=[
            jax.ShapeDtypeStruct((N, CONT), f32),
            jax.ShapeDtypeStruct((N, V0), f32),
            jax.ShapeDtypeStruct((N, V1), f32),
            jax.ShapeDtypeStruct((B, HID), f32),
        ],
        compiler_params=pltpu.CompilerParams(
            dimension_semantics=("parallel",)),
    )(g, bb2_w, row(bb2_b), cont_head_w, row(cont_head_b),
      cat0_w, row(cat0_b), cat1_w, row(cat1_b), sel)

    canopy = pl.pallas_call(
        _can_body,
        out_shape=jax.ShapeDtypeStruct((B, 1), f32),
    )(h_last, can1_w, row(can1_b), can2_w, row(can2_b))

    return (cont_out.reshape(B, T, CONT), cat0.reshape(B, T, V0),
            cat1.reshape(B, T, V1), canopy.reshape(B),
            vq_loss.reshape(()), idx_flat.reshape(B, T),
            perp.reshape(()))

# --- scband reference (transcript-rebuilt; emitter-appended) ---
"""Pipeline reference for scband-vqvae-14912126451772 (READ-ONLY COPY).

The authoritative reference and input builder live on the scoring server;
editing this copy changes nothing except your own understanding.
"""

import jax, jax.numpy as jnp
import numpy as np
from jax import lax

B, T = 64, 128
EMB, HID, K, CONT, V0, V1, CED = 256, 128, 8192, 16, 32, 64, 6


def setup_inputs(seed=0):
    key = jax.random.key(seed)
    ks = jax.random.split(key, 32)
    def g(i, shape, s=0.02):
        return jax.random.normal(ks[i], shape, jnp.float32) * s
    inp = {
        'cont': jax.random.normal(ks[0], (B, T, CONT), jnp.float32),
        'cat': jax.random.randint(ks[1], (B, T, 2), 0, V0),
        'naip': jax.random.normal(ks[2], (B, 1, 3, 3), jnp.float32),
        'emb0': g(3, (V0, CED), 0.05),
        'emb1': g(4, (V1, CED), 0.05),
        'conv_w': g(5, (HID, 1, 3, 3)),
        'conv_b': jnp.zeros((HID,), jnp.float32),
        'naip_proj_w': g(6, (HID, HID)),
        'naip_proj_b': jnp.zeros((HID,), jnp.float32),
        'cont_proj_w': g(7, (CONT, HID)),
        'cont_proj_b': jnp.zeros((HID,), jnp.float32),
        'cat_proj_w': g(8, (2 * CED, HID)),
        'cat_proj_b': jnp.zeros((HID,), jnp.float32),
        'fuse1_w': g(9, (3 * HID, HID)),
        'fuse1_b': jnp.zeros((HID,), jnp.float32),
        'fuse2_w': g(10, (HID, EMB)),
        'fuse2_b': jnp.zeros((EMB,), jnp.float32),
        'codebook': g(11, (K, EMB), 0.05),
        'bb1_w': g(12, (EMB, HID)),
        'bb1_b': jnp.zeros((HID,), jnp.float32),
        'bb2_w': g(13, (HID, HID)),
        'bb2_b': jnp.zeros((HID,), jnp.float32),
        'cont_head_w': g(14, (HID, CONT)),
        'cont_head_b': jnp.zeros((CONT,), jnp.float32),
        'cat0_w': g(15, (HID, V0)),
        'cat0_b': jnp.zeros((V0,), jnp.float32),
        'cat1_w': g(16, (HID, V1)),
        'cat1_b': jnp.zeros((V1,), jnp.float32),
        'can1_w': g(17, (HID, HID)),
        'can1_b': jnp.zeros((HID,), jnp.float32),
        'can2_w': g(18, (HID, 1)),
        'can2_b': jnp.zeros((1,), jnp.float32),
    }
    return inp


def _forward(p, cat):
    relu = lambda x: jnp.maximum(x, 0.0)
    sg = jax.lax.stop_gradient
    # --- MixedInputEncoder ---
    naip = jnp.nan_to_num(p['naip'], nan=0.0, posinf=0.0, neginf=0.0)
    feat = lax.conv_general_dilated(naip, p['conv_w'], (1, 1), 'VALID',
                                    dimension_numbers=('NCHW', 'OIHW', 'NCHW'))
    feat = relu(feat + p['conv_b'][None, :, None, None]).reshape(naip.shape[0], -1)
    nf = feat @ p['naip_proj_w'] + p['naip_proj_b']
    naip_rep = jnp.broadcast_to(nf[:, None, :], (B, T, HID))
    cont = jnp.nan_to_num(p['cont'], nan=0.0, posinf=0.0, neginf=0.0)
    cont_h = cont @ p['cont_proj_w'] + p['cont_proj_b']
    cat_e = jnp.concatenate([p['emb0'][cat[..., 0]], p['emb1'][cat[..., 1]]], axis=-1)
    cat_h = cat_e @ p['cat_proj_w'] + p['cat_proj_b']
    fused = jnp.concatenate([naip_rep, cont_h, cat_h], axis=-1)
    z_e = relu(fused @ p['fuse1_w'] + p['fuse1_b']) @ p['fuse2_w'] + p['fuse2_b']
    # --- VectorQuantizerST ---
    z = z_e.reshape(-1, EMB)
    dist = (z ** 2).sum(1, keepdims=True) + (p['codebook'] ** 2).sum(1)[None, :] - 2.0 * (z @ p['codebook'].T)
    idx = jnp.argmin(dist, axis=1)
    z_q = p['codebook'][idx].reshape(z_e.shape)
    commitment = jnp.mean((sg(z_e) - z_q) ** 2)
    codebook_loss = jnp.mean((z_e - sg(z_q)) ** 2)
    vq_loss = codebook_loss + 0.25 * commitment
    z_q_st = z_e + sg(z_q - z_e)
    # --- MixedDecoder ---
    h = relu(relu(z_q_st @ p['bb1_w'] + p['bb1_b']) @ p['bb2_w'] + p['bb2_b'])
    cont_out = h @ p['cont_head_w'] + p['cont_head_b']
    cat0 = h @ p['cat0_w'] + p['cat0_b']
    cat1 = h @ p['cat1_w'] + p['cat1_b']
    h_last = h[:, -1, :]
    canopy = (relu(h_last @ p['can1_w'] + p['can1_b']) @ p['can2_w'] + p['can2_b'])[:, 0]
    return (cont_out, cat0, cat1, canopy, vq_loss), idx


def reference(cont, cat, naip, emb0, emb1, conv_w, conv_b,
              naip_proj_w, naip_proj_b, cont_proj_w, cont_proj_b,
              cat_proj_w, cat_proj_b, fuse1_w, fuse1_b, fuse2_w, fuse2_b,
              codebook, bb1_w, bb1_b, bb2_w, bb2_b,
              cont_head_w, cont_head_b, cat0_w, cat0_b, cat1_w, cat1_b,
              can1_w, can1_b, can2_w, can2_b):
    p = {
        'cont': cont, 'naip': naip, 'emb0': emb0, 'emb1': emb1,
        'conv_w': conv_w, 'conv_b': conv_b,
        'naip_proj_w': naip_proj_w, 'naip_proj_b': naip_proj_b,
        'cont_proj_w': cont_proj_w, 'cont_proj_b': cont_proj_b,
        'cat_proj_w': cat_proj_w, 'cat_proj_b': cat_proj_b,
        'fuse1_w': fuse1_w, 'fuse1_b': fuse1_b,
        'fuse2_w': fuse2_w, 'fuse2_b': fuse2_b,
        'codebook': codebook,
        'bb1_w': bb1_w, 'bb1_b': bb1_b, 'bb2_w': bb2_w, 'bb2_b': bb2_b,
        'cont_head_w': cont_head_w, 'cont_head_b': cont_head_b,
        'cat0_w': cat0_w, 'cat0_b': cat0_b, 'cat1_w': cat1_w, 'cat1_b': cat1_b,
        'can1_w': can1_w, 'can1_b': can1_b, 'can2_w': can2_w, 'can2_b': can2_b,
    }
    out, idx = _forward(p, cat)
    counts = jnp.bincount(idx, length=K).astype(jnp.float32)
    avg_probs = counts / idx.shape[0]
    perplexity = jnp.exp(-jnp.sum(avg_probs * jnp.log(avg_probs + 1e-12)))
    return (*out, idx.reshape(B, T), perplexity)

if __name__ == "__main__":
    import jax
    _d = setup_inputs()
    print(jax.jit(kernel)(*tuple(_d.values())))

</pallas_src>

<mosaic_0001>
#map = affine_map<(d0, d1) -> (0, 0)>
#map1 = affine_map<(d0, d1) -> (0)>
module attributes {stable_mosaic.version = 14 : i64} {
  func.func @kern(%arg0: i32, %arg1: i32, %arg2: memref<8192x128xf32, #tpu.memory_space<hbm>>, %arg3: memref<8192xi32, #tpu.memory_space<hbm>>, %arg4: memref<8192x128xf32, #tpu.memory_space<hbm>>, %arg5: memref<256xi32, #tpu.memory_space<vmem>>, %arg6: memref<256x128xf32, #tpu.memory_space<vmem>>, %arg7: memref<8192x128xf32, #tpu.memory_space<vmem_shared>>, %arg8: memref<!tpu.dma_semaphore, #tpu.memory_space<semaphore_mem>>) attributes {dimension_semantics = [#tpu.dimension_semantics<core_parallel>, #tpu.dimension_semantics<subcore_parallel>], iteration_bounds = array<i64: 2, 16>, scalar_prefetch = 0 : i64, scratch_operands = 4 : i64, tpu.core_type = #tpu.core_type<sc_vector_subcore>, window_params = [{transform_indices = #map}, {transform_indices = #map1}, {transform_indices = #map}]} {
    %eq3A = arith.constant 0 : i32
    %eq3A_0 = arith.cmpi eq, %arg1, %eq3A : i32
    %convert_element_type3A = arith.extui %eq3A_0 : i1 to i32
    %cond3A = arith.constant 0 : i32
    %cond3A_1 = arith.cmpi ne, %convert_element_type3A, %cond3A : i32
    scf.if %cond3A_1 {
      "tpu.region"() ({
        %run_scoped3A = tpu.sem_alloc : memref<!tpu.dma_semaphore, #tpu.memory_space<semaphore_mem>>
        tpu.enqueue_dma source(%arg2 : memref<8192x128xf32, #tpu.memory_space<hbm>>) target(%arg7 : memref<8192x128xf32, #tpu.memory_space<vmem_shared>>) target_semaphore(%run_scoped3A : memref<!tpu.dma_semaphore, #tpu.memory_space<semaphore_mem>>)
        tpu.wait_dma2 semaphore(%run_scoped3A : memref<!tpu.dma_semaphore, #tpu.memory_space<semaphore_mem>>) src(%arg2 : memref<8192x128xf32, #tpu.memory_space<hbm>>) dst(%arg7 : memref<8192x128xf32, #tpu.memory_space<vmem_shared>>)
        tpu.yield
      }) : () -> ()
    } else {
    }
    %barrier3A = arith.constant 0 : index
    tpu.barrier barrier_id(%barrier3A)
    %mul3A = arith.constant 2 : i32
    %mul3A_2 = arith.muli %arg1, %mul3A : i32
    %add3A = arith.addi %mul3A_2, %arg0 : i32
    %mul3A_3 = arith.constant 256 : i32
    %mul3A_4 = arith.muli %add3A, %mul3A_3 : i32
    "tpu.region"() ({
      %run_scoped3A = tpu.sem_alloc : memref<!tpu.dma_semaphore, #tpu.memory_space<semaphore_mem>>
      %dma_start3A_9 = tpu.memref_slice %arg3[%mul3A_4] : memref<8192xi32, #tpu.memory_space<hbm>> -> memref<256xi32, #tpu.memory_space<hbm>>
      %dma_start3A_10 = tpu.memref_slice %arg3[%mul3A_4] : memref<8192xi32, #tpu.memory_space<hbm>> -> memref<256xi32, #tpu.memory_space<hbm>>
      tpu.enqueue_dma source(%dma_start3A_10 : memref<256xi32, #tpu.memory_space<hbm>>) target(%arg5 : memref<256xi32, #tpu.memory_space<vmem>>) target_semaphore(%run_scoped3A : memref<!tpu.dma_semaphore, #tpu.memory_space<semaphore_mem>>)
      %dma_wait3A_11 = tpu.memref_slice %arg3[%mul3A_4] : memref<8192xi32, #tpu.memory_space<hbm>> -> memref<256xi32, #tpu.memory_space<hbm>>
      %dma_wait3A_12 = tpu.memref_slice %arg3[%mul3A_4] : memref<8192xi32, #tpu.memory_space<hbm>> -> memref<256xi32, #tpu.memory_space<hbm>>
      tpu.wait_dma2 semaphore(%run_scoped3A : memref<!tpu.dma_semaphore, #tpu.memory_space<semaphore_mem>>) src(%dma_wait3A_12 : memref<256xi32, #tpu.memory_space<hbm>>) dst(%arg5 : memref<256xi32, #tpu.memory_space<vmem>>)
      tpu.yield
    }) : () -> ()
    %dma_start3A = arith.constant 0 : i32
    %dma_start3A_5 = arith.constant 0 : i32
    %dma_start3A_6 = tpu.memref_slice %arg7[%dma_start3A, %dma_start3A_5] : memref<8192x128xf32, #tpu.memory_space<vmem_shared>> -> memref<8192x128xf32, #tpu.memory_space<vmem_shared>>
    tpu.enqueue_indirect_dma source(%dma_start3A_6 : memref<8192x128xf32, #tpu.memory_space<vmem_shared>>) target(%arg6 : memref<256x128xf32, #tpu.memory_space<vmem>>) offsets(%arg5 : memref<256xi32, #tpu.memory_space<vmem>>) semaphore(%arg8 : memref<!tpu.dma_semaphore, #tpu.memory_space<semaphore_mem>>)
    %dma_wait3A = arith.constant 0 : i32
    %dma_wait3A_7 = arith.constant 0 : i32
    %dma_wait3A_8 = tpu.memref_slice %arg7[%dma_wait3A, %dma_wait3A_7] : memref<8192x128xf32, #tpu.memory_space<vmem_shared>> -> memref<8192x128xf32, #tpu.memory_space<vmem_shared>>
    tpu.wait_indirect_dma semaphore(%arg8 : memref<!tpu.dma_semaphore, #tpu.memory_space<semaphore_mem>>) src(%dma_wait3A_8 : memref<8192x128xf32, #tpu.memory_space<vmem_shared>>) dst(%arg6 : memref<256x128xf32, #tpu.memory_space<vmem>>)
    "tpu.region"() ({
      %run_scoped3A = tpu.sem_alloc : memref<!tpu.dma_semaphore, #tpu.memory_space<semaphore_mem>>
      %dma_start3A_9 = arith.constant 0 : i32
      %dma_start3A_10 = tpu.memref_slice %arg4[%mul3A_4, %dma_start3A_9] : memref<8192x128xf32, #tpu.memory_space<hbm>> -> memref<256x128xf32, #tpu.memory_space<hbm>>
      %dma_start3A_11 = arith.constant 0 : i32
      %dma_start3A_12 = tpu.memref_slice %arg4[%mul3A_4, %dma_start3A_11] : memref<8192x128xf32, #tpu.memory_space<hbm>> -> memref<256x128xf32, #tpu.memory_space<hbm>>
      tpu.enqueue_dma source(%arg6 : memref<256x128xf32, #tpu.memory_space<vmem>>) target(%dma_start3A_12 : memref<256x128xf32, #tpu.memory_space<hbm>>) target_semaphore(%run_scoped3A : memref<!tpu.dma_semaphore, #tpu.memory_space<semaphore_mem>>)
      %dma_wait3A_13 = arith.constant 0 : i32
      %dma_wait3A_14 = tpu.memref_slice %arg4[%mul3A_4, %dma_wait3A_13] : memref<8192x128xf32, #tpu.memory_space<hbm>> -> memref<256x128xf32, #tpu.memory_space<hbm>>
      %dma_wait3A_15 = arith.constant 0 : i32
      %dma_wait3A_16 = tpu.memref_slice %arg4[%mul3A_4, %dma_wait3A_15] : memref<8192x128xf32, #tpu.memory_space<hbm>> -> memref<256x128xf32, #tpu.memory_space<hbm>>
      tpu.wait_dma2 semaphore(%run_scoped3A : memref<!tpu.dma_semaphore, #tpu.memory_space<semaphore_mem>>) src(%arg6 : memref<256x128xf32, #tpu.memory_space<vmem>>) dst(%dma_wait3A_16 : memref<256x128xf32, #tpu.memory_space<hbm>>)
      tpu.yield
    }) : () -> ()
    return
  }
}

module attributes {stable_mosaic.version = 14 : i64} {
  func.func @_nf_body(%arg0: memref<64x9xf32, #tpu.memory_space<vmem>>, %arg1: memref<128x9xf32, #tpu.memory_space<vmem>>, %arg2: memref<1x128xf32, #tpu.memory_space<vmem>>, %arg3: memref<128x128xf32, #tpu.memory_space<vmem>>, %arg4: memref<1x128xf32, #tpu.memory_space<vmem>>, %arg5: memref<64x128xf32, #tpu.memory_space<vmem>>) attributes {dimension_semantics = [], scalar_prefetch = 0 : i64, scratch_operands = 0 : i64, tpu.core_type = #tpu.core_type<tc>} {
    %get3A = arith.constant 0 : index
    %get3A_0 = arith.constant 0 : index
    %get3A_1 = vector.load %arg0[%get3A, %get3A_0] : memref<64x9xf32, #tpu.memory_space<vmem>>, vector<64x9xf32>
    %jit3A = arith.constant 0.000000e+00 : f32
    %jit3A_2 = arith.constant 0.000000e+00 : f32
    %jit3A_3 = arith.constant 0.000000e+00 : f32
    %ne3A = arith.cmpf one, %get3A_1, %get3A_1 : vector<64x9xf32>
    %broadcast_in_dim3A = vector.broadcast %jit3A : f32 to vector<64x9xf32>
    %select_n3A = arith.select %ne3A, %broadcast_in_dim3A, %get3A_1 : vector<64x9xi1>, vector<64x9xf32>
    %eq3A = arith.constant 0x7F800000 : f32
    %eq3A_4 = vector.broadcast %eq3A : f32 to vector<64x9xf32>
    %eq3A_5 = arith.cmpf oeq, %select_n3A, %eq3A_4 : vector<64x9xf32>
    %broadcast_in_dim3A_6 = vector.broadcast %jit3A_3 : f32 to vector<64x9xf32>
    %select_n3A_7 = arith.select %eq3A_5, %broadcast_in_dim3A_6, %select_n3A : vector<64x9xi1>, vector<64x9xf32>
    %eq3A_8 = arith.constant 0xFF800000 : f32
    %eq3A_9 = vector.broadcast %eq3A_8 : f32 to vector<64x9xf32>
    %eq3A_10 = arith.cmpf oeq, %select_n3A_7, %eq3A_9 : vector<64x9xf32>
    %broadcast_in_dim3A_11 = vector.broadcast %jit3A_2 : f32 to vector<64x9xf32>
    %select_n3A_12 = arith.select %eq3A_10, %broadcast_in_dim3A_11, %select_n3A_7 : vector<64x9xi1>, vector<64x9xf32>
    %get3A_13 = arith.constant 0 : index
    %get3A_14 = arith.constant 0 : index
    %get3A_15 = vector.load %arg1[%get3A_13, %get3A_14] : memref<128x9xf32, #tpu.memory_space<vmem>>, vector<128x9xf32>
    %dot_general3A = arith.constant dense<0.000000e+00> : vector<64x128xf32>
    %dot_general3A_16 = tpu.matmul %select_n3A_12, %get3A_15, %dot_general3A {dimension_numbers = #tpu.dot_dimension_numbers<[1], [1], [0], [0], [0, 0, 1, 0], [], []>, transpose_lhs_hint = false} : vector<64x9xf32>, vector<128x9xf32>, vector<64x128xf32> -> vector<64x128xf32>
    %get3A_17 = arith.constant 0 : index
    %get3A_18 = arith.constant 0 : index
    %get3A_19 = vector.load %arg2[%get3A_17, %get3A_18] : memref<1x128xf32, #tpu.memory_space<vmem>>, vector<1x128xf32>
    %add3A = vector.broadcast %get3A_19 : vector<1x128xf32> to vector<64x128xf32>
    %add3A_20 = arith.addf %dot_general3A_16, %add3A : vector<64x128xf32>
    %max3A = arith.constant 0.000000e+00 : f32
    %max3A_21 = vector.broadcast %max3A : f32 to vector<64x128xf32>
    %max3A_22 = arith.maximumf %add3A_20, %max3A_21 : vector<64x128xf32>
    %get3A_23 = arith.constant 0 : index
    %get3A_24 = arith.constant 0 : index
    %get3A_25 = vector.load %arg3[%get3A_23, %get3A_24] : memref<128x128xf32, #tpu.memory_space<vmem>>, vector<128x128xf32>
    %dot_general3A_26 = arith.constant dense<0.000000e+00> : vector<64x128xf32>
    %dot_general3A_27 = tpu.matmul %max3A_22, %get3A_25, %dot_general3A_26 {dimension_numbers = #tpu.dot_dimension_numbers<[1], [0], [0], [1], [0, 0, 1, 1], [], []>, transpose_lhs_hint = false} : vector<64x128xf32>, vector<128x128xf32>, vector<64x128xf32> -> vector<64x128xf32>
    %get3A_28 = arith.constant 0 : index
    %get3A_29 = arith.constant 0 : index
    %get3A_30 = vector.load %arg4[%get3A_28, %get3A_29] : memref<1x128xf32, #tpu.memory_space<vmem>>, vector<1x128xf32>
    %add3A_31 = vector.broadcast %get3A_30 : vector<1x128xf32> to vector<64x128xf32>
    %add3A_32 = arith.addf %dot_general3A_27, %add3A_31 : vector<64x128xf32>
    %swap3A = arith.constant 0 : index
    %swap3A_33 = arith.constant 0 : index
    %swap3A_34 = vector.load %arg5[%swap3A, %swap3A_33] : memref<64x128xf32, #tpu.memory_space<vmem>>, vector<64x128xf32>
    tpu.vector_store %arg5[%swap3A, %swap3A_33], %add3A_32 {strides = array<i32>} : memref<64x128xf32, #tpu.memory_space<vmem>>, vector<64x128xf32>,
    return
  }
}

module attributes {stable_mosaic.version = 14 : i64} {
  func.func @_enc_body(%arg0: i32, %arg1: memref<512x16xf32, #tpu.memory_space<vmem>>, %arg2: memref<512x2xi32, #tpu.memory_space<vmem>>, %arg3: memref<4x1x128xf32, #tpu.memory_space<vmem>>, %arg4: memref<32x6xf32, #tpu.memory_space<vmem>>, %arg5: memref<64x6xf32, #tpu.memory_space<vmem>>, %arg6: memref<16x128xf32, #tpu.memory_space<vmem>>, %arg7: memref<1x128xf32, #tpu.memory_space<vmem>>, %arg8: memref<12x128xf32, #tpu.memory_space<vmem>>, %arg9: memref<1x128xf32, #tpu.memory_space<vmem>>, %arg10: memref<384x128xf32, #tpu.memory_space<vmem>>, %arg11: memref<1x128xf32, #tpu.memory_space<vmem>>, %arg12: memref<128x256xf32, #tpu.memory_space<vmem>>, %arg13: memref<1x256xf32, #tpu.memory_space<vmem>>, %arg14: memref<512x256xf32, #tpu.memory_space<vmem>>) attributes {dimension_semantics = [#tpu.dimension_semantics<parallel>], iteration_bounds = array<i64: 16>, scalar_prefetch = 0 : i64, scratch_operands = 0 : i64, tpu.core_type = #tpu.core_type<tc>, window_params = [{transform_indices = @transform_0, window_bounds = array<i64: 512, 16>}, {transform_indices = @transform_1, window_bounds = array<i64: 512, 2>}, {transform_indices = @transform_2, window_bounds = array<i64: 4, 1, 128>}, {pipeline_mode = #tpu.pipeline_mode<synchronous>, transform_indices = @transform_3, window_bounds = array<i64: 32, 6>}, {pipeline_mode = #tpu.pipeline_mode<synchronous>, transform_indices = @transform_4, window_bounds = array<i64: 64, 6>}, {pipeline_mode = #tpu.pipeline_mode<synchronous>, transform_indices = @transform_5, window_bounds = array<i64: 16, 128>}, {pipeline_mode = #tpu.pipeline_mode<synchronous>, transform_indices = @transform_6, window_bounds = array<i64: 1, 128>}, {pipeline_mode = #tpu.pipeline_mode<synchronous>, transform_indices = @transform_7, window_bounds = array<i64: 12, 128>}, {pipeline_mode = #tpu.pipeline_mode<synchronous>, transform_indices = @transform_8, window_bounds = array<i64: 1, 128>}, {pipeline_mode = #tpu.pipeline_mode<synchronous>, transform_indices = @transform_9, window_bounds = array<i64: 384, 128>}, {pipeline_mode = #tpu.pipeline_mode<synchronous>, transform_indices = @transform_10, window_bounds = array<i64: 1, 128>}, {pipeline_mode = #tpu.pipeline_mode<synchronous>, transform_indices = @transform_11, window_bounds = array<i64: 128, 256>}, {pipeline_mode = #tpu.pipeline_mode<synchronous>, transform_indices = @transform_12, window_bounds = array<i64: 1, 256>}, {transform_indices = @transform_13, window_bounds = array<i64: 512, 256>}]} {
    %get3A = arith.constant 0 : index
    %get3A_0 = arith.constant 0 : index
    %get3A_1 = vector.load %arg1[%get3A, %get3A_0] : memref<512x16xf32, #tpu.memory_space<vmem>>, vector<512x16xf32>
    %jit3A = arith.constant 0.000000e+00 : f32
    %jit3A_2 = arith.constant 0.000000e+00 : f32
    %jit3A_3 = arith.constant 0.000000e+00 : f32
    %ne3A = arith.cmpf one, %get3A_1, %get3A_1 : vector<512x16xf32>
    %broadcast_in_dim3A = vector.broadcast %jit3A : f32 to vector<512x16xf32>
    %select_n3A = arith.select %ne3A, %broadcast_in_dim3A, %get3A_1 : vector<512x16xi1>, vector<512x16xf32>
    %eq3A = arith.constant 0x7F800000 : f32
    %eq3A_4 = vector.broadcast %eq3A : f32 to vector<512x16xf32>
    %eq3A_5 = arith.cmpf oeq, %select_n3A, %eq3A_4 : vector<512x16xf32>
    %broadcast_in_dim3A_6 = vector.broadcast %jit3A_3 : f32 to vector<512x16xf32>
    %select_n3A_7 = arith.select %eq3A_5, %broadcast_in_dim3A_6, %select_n3A : vector<512x16xi1>, vector<512x16xf32>
    %eq3A_8 = arith.constant 0xFF800000 : f32
    %eq3A_9 = vector.broadcast %eq3A_8 : f32 to vector<512x16xf32>
    %eq3A_10 = arith.cmpf oeq, %select_n3A_7, %eq3A_9 : vector<512x16xf32>
    %broadcast_in_dim3A_11 = vector.broadcast %jit3A_2 : f32 to vector<512x16xf32>
    %select_n3A_12 = arith.select %eq3A_10, %broadcast_in_dim3A_11, %select_n3A_7 : vector<512x16xi1>, vector<512x16xf32>
    %get3A_13 = arith.constant 0 : index
    %get3A_14 = arith.constant 0 : index
    %get3A_15 = vector.load %arg6[%get3A_13, %get3A_14] : memref<16x128xf32, #tpu.memory_space<vmem>>, vector<16x128xf32>
    %dot_general3A = arith.constant dense<0.000000e+00> : vector<512x128xf32>
    %dot_general3A_16 = tpu.matmul %select_n3A_12, %get3A_15, %dot_general3A {dimension_numbers = #tpu.dot_dimension_numbers<[1], [0], [0], [1], [0, 0, 1, 1], [], []>, transpose_lhs_hint = false} : vector<512x16xf32>, vector<16x128xf32>, vector<512x128xf32> -> vector<512x128xf32>
    %get3A_17 = arith.constant 0 : index
    %get3A_18 = arith.constant 0 : index
    %get3A_19 = vector.load %arg7[%get3A_17, %get3A_18] : memref<1x128xf32, #tpu.memory_space<vmem>>, vector<1x128xf32>
    %add3A = vector.broadcast %get3A_19 : vector<1x128xf32> to vector<512x128xf32>
    %add3A_20 = arith.addf %dot_general3A_16, %add3A : vector<512x128xf32>
    %get3A_21 = arith.constant 0 : index
    %get3A_22 = arith.constant 0 : index
    %get3A_23 = vector.load %arg2[%get3A_21, %get3A_22] : memref<512x2xi32, #tpu.memory_space<vmem>>, vector<512x2xi32>
    %slice3A = vector.extract_strided_slice %get3A_23 {offsets = [0, 0], sizes = [512, 1], strides = [1, 1]} : vector<512x2xi32> to vector<512x1xi32>
    %iota3A = tpu.iota {dimensions = array<i32: 1>} : vector<512x32xi32>
    %eq3A_24 = vector.broadcast %slice3A : vector<512x1xi32> to vector<512x32xi32>
    %eq3A_25 = arith.cmpi eq, %eq3A_24, %iota3A : vector<512x32xi32>
    %convert_element_type3A = arith.extui %eq3A_25 : vector<512x32xi1> to vector<512x32xi32>
    %convert_element_type3A_26 = arith.sitofp %convert_element_type3A : vector<512x32xi32> to vector<512x32xf32>
    %slice3A_27 = vector.extract_strided_slice %get3A_23 {offsets = [0, 1], sizes = [512, 1], strides = [1, 1]} : vector<512x2xi32> to vector<512x1xi32>
    %iota3A_28 = tpu.iota {dimensions = array<i32: 1>} : vector<512x64xi32>
    %eq3A_29 = vector.broadcast %slice3A_27 : vector<512x1xi32> to vector<512x64xi32>
    %eq3A_30 = arith.cmpi eq, %eq3A_29, %iota3A_28 : vector<512x64xi32>
    %convert_element_type3A_31 = arith.extui %eq3A_30 : vector<512x64xi1> to vector<512x64xi32>
    %convert_element_type3A_32 = arith.sitofp %convert_element_type3A_31 : vector<512x64xi32> to vector<512x64xf32>
    %get3A_33 = arith.constant 0 : index
    %get3A_34 = arith.constant 0 : index
    %get3A_35 = vector.load %arg4[%get3A_33, %get3A_34] : memref<32x6xf32, #tpu.memory_space<vmem>>, vector<32x6xf32>
    %dot_general3A_36 = arith.constant dense<0.000000e+00> : vector<512x6xf32>
    %dot_general3A_37 = tpu.matmul %convert_element_type3A_26, %get3A_35, %dot_general3A_36 {dimension_numbers = #tpu.dot_dimension_numbers<[1], [0], [0], [1], [0, 0, 1, 1], [], []>, precision = #tpu.contract_precision<fp32>, transpose_lhs_hint = false} : vector<512x32xf32>, vector<32x6xf32>, vector<512x6xf32> -> vector<512x6xf32>
    %get3A_38 = arith.constant 0 : index
    %get3A_39 = arith.constant 0 : index
    %get3A_40 = vector.load %arg5[%get3A_38, %get3A_39] : memref<64x6xf32, #tpu.memory_space<vmem>>, vector<64x6xf32>
    %dot_general3A_41 = arith.constant dense<0.000000e+00> : vector<512x6xf32>
    %dot_general3A_42 = tpu.matmul %convert_element_type3A_32, %get3A_40, %dot_general3A_41 {dimension_numbers = #tpu.dot_dimension_numbers<[1], [0], [0], [1], [0, 0, 1, 1], [], []>, precision = #tpu.contract_precision<fp32>, transpose_lhs_hint = false} : vector<512x64xf32>, vector<64x6xf32>, vector<512x6xf32> -> vector<512x6xf32>
    %concatenate3A = tpu.concatenate %dot_general3A_37, %dot_general3A_42 in 1 : vector<512x6xf32>, vector<512x6xf32> -> vector<512x12xf32>
    %get3A_43 = arith.constant 0 : index
    %get3A_44 = arith.constant 0 : index
    %get3A_45 = vector.load %arg8[%get3A_43, %get3A_44] : memref<12x128xf32, #tpu.memory_space<vmem>>, vector<12x128xf32>
    %dot_general3A_46 = arith.constant dense<0.000000e+00> : vector<512x128xf32>
    %dot_general3A_47 = tpu.matmul %concatenate3A, %get3A_45, %dot_general3A_46 {dimension_numbers = #tpu.dot_dimension_numbers<[1], [0], [0], [1], [0, 0, 1, 1], [], []>, transpose_lhs_hint = false} : vector<512x12xf32>, vector<12x128xf32>, vector<512x128xf32> -> vector<512x128xf32>
    %get3A_48 = arith.constant 0 : index
    %get3A_49 = arith.constant 0 : index
    %get3A_50 = vector.load %arg9[%get3A_48, %get3A_49] : memref<1x128xf32, #tpu.memory_space<vmem>>, vector<1x128xf32>
    %add3A_51 = vector.broadcast %get3A_50 : vector<1x128xf32> to vector<512x128xf32>
    %add3A_52 = arith.addf %dot_general3A_47, %add3A_51 : vector<512x128xf32>
    %get3A_53 = arith.constant 0 : index
    %get3A_54 = arith.constant 0 : index
    %get3A_55 = arith.constant 0 : index
    %get3A_56 = vector.load %arg3[%get3A_53, %get3A_54, %get3A_55] : memref<4x1x128xf32, #tpu.memory_space<vmem>>, vector<4x1x128xf32>
    %broadcast_in_dim3A_57 = vector.shape_cast %get3A_56 : vector<4x1x128xf32> to vector<4x1x128xf32>
    %broadcast_in_dim3A_58 = vector.broadcast %broadcast_in_dim3A_57 : vector<4x1x128xf32> to vector<4x128x128xf32>
    %reshape3A = vector.shape_cast %broadcast_in_dim3A_58 : vector<4x128x128xf32> to vector<512x128xf32>
    %concatenate3A_59 = tpu.concatenate %reshape3A, %add3A_20, %add3A_52 in 1 : vector<512x128xf32>, vector<512x128xf32>, vector<512x128xf32> -> vector<512x384xf32>
    %get3A_60 = arith.constant 0 : index
    %get3A_61 = arith.constant 0 : index
    %get3A_62 = vector.load %arg10[%get3A_60, %get3A_61] : memref<384x128xf32, #tpu.memory_space<vmem>>, vector<384x128xf32>
    %dot_general3A_63 = arith.constant dense<0.000000e+00> : vector<512x128xf32>
    %dot_general3A_64 = tpu.matmul %concatenate3A_59, %get3A_62, %dot_general3A_63 {dimension_numbers = #tpu.dot_dimension_numbers<[1], [0], [0], [1], [0, 0, 1, 1], [], []>, transpose_lhs_hint = false} : vector<512x384xf32>, vector<384x128xf32>, vector<512x128xf32> -> vector<512x128xf32>
    %get3A_65 = arith.constant 0 : index
    %get3A_66 = arith.constant 0 : index
    %get3A_67 = vector.load %arg11[%get3A_65, %get3A_66] : memref<1x128xf32, #tpu.memory_space<vmem>>, vector<1x128xf32>
    %add3A_68 = vector.broadcast %get3A_67 : vector<1x128xf32> to vector<512x128xf32>
    %add3A_69 = arith.addf %dot_general3A_64, %add3A_68 : vector<512x128xf32>
    %max3A = arith.constant 0.000000e+00 : f32
    %max3A_70 = vector.broadcast %max3A : f32 to vector<512x128xf32>
    %max3A_71 = arith.maximumf %add3A_69, %max3A_70 : vector<512x128xf32>
    %get3A_72 = arith.constant 0 : index
    %get3A_73 = arith.constant 0 : index
    %get3A_74 = vector.load %arg12[%get3A_72, %get3A_73] : memref<128x256xf32, #tpu.memory_space<vmem>>, vector<128x256xf32>
    %dot_general3A_75 = arith.constant dense<0.000000e+00> : vector<512x256xf32>
    %dot_general3A_76 = tpu.matmul %max3A_71, %get3A_74, %dot_general3A_75 {dimension_numbers = #tpu.dot_dimension_numbers<[1], [0], [0], [1], [0, 0, 1, 1], [], []>, transpose_lhs_hint = false} : vector<512x128xf32>, vector<128x256xf32>, vector<512x256xf32> -> vector<512x256xf32>
    %get3A_77 = arith.constant 0 : index
    %get3A_78 = arith.constant 0 : index
    %get3A_79 = vector.load %arg13[%get3A_77, %get3A_78] : memref<1x256xf32, #tpu.memory_space<vmem>>, vector<1x256xf32>
    %add3A_80 = vector.broadcast %get3A_79 : vector<1x256xf32> to vector<512x256xf32>
    %add3A_81 = arith.addf %dot_general3A_76, %add3A_80 : vector<512x256xf32>
    %swap3A = arith.constant 0 : index
    %swap3A_82 = arith.constant 0 : index
    %swap3A_83 = vector.load %arg14[%swap3A, %swap3A_82] : memref<512x256xf32, #tpu.memory_space<vmem>>, vector<512x256xf32>
    tpu.vector_store %arg14[%swap3A, %swap3A_82], %add3A_81 {strides = array<i32>} : memref<512x256xf32, #tpu.memory_space<vmem>>, vector<512x256xf32>,
    return
  }
  func.func @transform_0(%arg0: i32) -> (i32, i32) {
    %c0_i32 = arith.constant 0 : i32
    %c0_i32_0 = arith.constant 0 : i32
    return %arg0, %c0_i32 : i32, i32
  }
  func.func @transform_1(%arg0: i32) -> (i32, i32) {
    %c0_i32 = arith.constant 0 : i32
    %c0_i32_0 = arith.constant 0 : i32
    return %arg0, %c0_i32 : i32, i32
  }
  func.func @transform_2(%arg0: i32) -> (i32, i32, i32) {
    %c0_i32 = arith.constant 0 : i32
    %c0_i32_0 = arith.constant 0 : i32
    %c0_i32_1 = arith.constant 0 : i32
    return %arg0, %c0_i32, %c0_i32_0 : i32, i32, i32
  }
  func.func @transform_3(%arg0: i32) -> (i32, i32) {
    %c0_i32 = arith.constant 0 : i32
    %c0_i32_0 = arith.constant 0 : i32
    %c0_i32_1 = arith.constant 0 : i32
    return %c0_i32, %c0_i32_0 : i32, i32
  }
  func.func @transform_4(%arg0: i32) -> (i32, i32) {
    %c0_i32 = arith.constant 0 : i32
    %c0_i32_0 = arith.constant 0 : i32
    %c0_i32_1 = arith.constant 0 : i32
    return %c0_i32, %c0_i32_0 : i32, i32
  }
  func.func @transform_5(%arg0: i32) -> (i32, i32) {
    %c0_i32 = arith.constant 0 : i32
    %c0_i32_0 = arith.constant 0 : i32
    %c0_i32_1 = arith.constant 0 : i32
    return %c0_i32, %c0_i32_0 : i32, i32
  }
  func.func @transform_6(%arg0: i32) -> (i32, i32) {
    %c0_i32 = arith.constant 0 : i32
    %c0_i32_0 = arith.constant 0 : i32
    %c0_i32_1 = arith.constant 0 : i32
    return %c0_i32, %c0_i32_0 : i32, i32
  }
  func.func @transform_7(%arg0: i32) -> (i32, i32) {
    %c0_i32 = arith.constant 0 : i32
    %c0_i32_0 = arith.constant 0 : i32
    %c0_i32_1 = arith.constant 0 : i32
    return %c0_i32, %c0_i32_0 : i32, i32
  }
  func.func @transform_8(%arg0: i32) -> (i32, i32) {
    %c0_i32 = arith.constant 0 : i32
    %c0_i32_0 = arith.constant 0 : i32
    %c0_i32_1 = arith.constant 0 : i32
    return %c0_i32, %c0_i32_0 : i32, i32
  }
  func.func @transform_9(%arg0: i32) -> (i32, i32) {
    %c0_i32 = arith.constant 0 : i32
    %c0_i32_0 = arith.constant 0 : i32
    %c0_i32_1 = arith.constant 0 : i32
    return %c0_i32, %c0_i32_0 : i32, i32
  }
  func.func @transform_10(%arg0: i32) -> (i32, i32) {
    %c0_i32 = arith.constant 0 : i32
    %c0_i32_0 = arith.constant 0 : i32
    %c0_i32_1 = arith.constant 0 : i32
    return %c0_i32, %c0_i32_0 : i32, i32
  }
  func.func @transform_11(%arg0: i32) -> (i32, i32) {
    %c0_i32 = arith.constant 0 : i32
    %c0_i32_0 = arith.constant 0 : i32
    %c0_i32_1 = arith.constant 0 : i32
    return %c0_i32, %c0_i32_0 : i32, i32
  }
  func.func @transform_12(%arg0: i32) -> (i32, i32) {
    %c0_i32 = arith.constant 0 : i32
    %c0_i32_0 = arith.constant 0 : i32
    %c0_i32_1 = arith.constant 0 : i32
    return %c0_i32, %c0_i32_0 : i32, i32
  }
  func.func @transform_13(%arg0: i32) -> (i32, i32) {
    %c0_i32 = arith.constant 0 : i32
    %c0_i32_0 = arith.constant 0 : i32
    return %arg0, %c0_i32 : i32, i32
  }
}

module attributes {stable_mosaic.version = 14 : i64} {
  func.func @_vq_body(%arg0: i32, %arg1: memref<512x256xf32, #tpu.memory_space<vmem>>, %arg2: memref<512x1xf32, #tpu.memory_space<vmem>>, %arg3: memref<1x8192xf32, #tpu.memory_space<vmem>>, %arg4: memref<8192x256xf32, #tpu.memory_space<vmem>>, %arg5: memref<1x512x1xi32, #tpu.memory_space<vmem>>, %arg6: memref<1x1x1xf32, #tpu.memory_space<vmem>>) attributes {dimension_semantics = [#tpu.dimension_semantics<parallel>], iteration_bounds = array<i64: 16>, scalar_prefetch = 0 : i64, scratch_operands = 0 : i64, tpu.core_type = #tpu.core_type<tc>, window_params = [{transform_indices = @transform_0, window_bounds = array<i64: 512, 256>}, {transform_indices = @transform_1, window_bounds = array<i64: 512, 1>}, {pipeline_mode = #tpu.pipeline_mode<synchronous>, transform_indices = @transform_2, window_bounds = array<i64: 1, 8192>}, {pipeline_mode = #tpu.pipeline_mode<synchronous>, transform_indices = @transform_3, window_bounds = array<i64: 8192, 256>}, {transform_indices = @transform_4, window_bounds = array<i64: 1, 512, 1>}, {transform_indices = @transform_5, window_bounds = array<i64: 1, 1, 1>}]} {
    %get3A = arith.constant 0 : index
    %get3A_0 = arith.constant 0 : index
    %get3A_1 = vector.load %arg1[%get3A, %get3A_0] : memref<512x256xf32, #tpu.memory_space<vmem>>, vector<512x256xf32>
    %get3A_2 = arith.constant 0 : index
    %get3A_3 = arith.constant 0 : index
    %get3A_4 = vector.load %arg2[%get3A_2, %get3A_3] : memref<512x1xf32, #tpu.memory_space<vmem>>, vector<512x1xf32>
    %broadcast_in_dim3A = arith.constant 0x7F800000 : f32
    %broadcast_in_dim3A_5 = vector.broadcast %broadcast_in_dim3A : f32 to vector<512x1xf32>
    %broadcast_in_dim3A_6 = arith.constant 0 : i32
    %broadcast_in_dim3A_7 = vector.broadcast %broadcast_in_dim3A_6 : i32 to vector<512x1xi32>
    %get3A_8 = arith.constant 0 : index
    %get3A_9 = arith.constant 0 : index
    %get3A_10 = vector.load %arg4[%get3A_8, %get3A_9] : memref<8192x256xf32, #tpu.memory_space<vmem>>, vector<2048x256xf32>
    %dot_general3A = arith.constant dense<0.000000e+00> : vector<512x2048xf32>
    %dot_general3A_11 = tpu.matmul %get3A_1, %get3A_10, %dot_general3A {dimension_numbers = #tpu.dot_dimension_numbers<[1], [1], [0], [0], [0, 0, 1, 0], [], []>, transpose_lhs_hint = false} : vector<512x256xf32>, vector<2048x256xf32>, vector<512x2048xf32> -> vector<512x2048xf32>
    %get3A_12 = arith.constant 0 : index
    %get3A_13 = arith.constant 0 : index
    %get3A_14 = vector.load %arg3[%get3A_12, %get3A_13] : memref<1x8192xf32, #tpu.memory_space<vmem>>, vector<1x2048xf32>
    %add3A = vector.broadcast %get3A_4 : vector<512x1xf32> to vector<512x2048xf32>
    %add3A_15 = vector.broadcast %get3A_14 : vector<1x2048xf32> to vector<512x2048xf32>
    %add3A_16 = arith.addf %add3A, %add3A_15 : vector<512x2048xf32>
    %mul3A = arith.constant 2.000000e+00 : f32
    %mul3A_17 = vector.broadcast %mul3A : f32 to vector<512x2048xf32>
    %mul3A_18 = arith.mulf %mul3A_17, %dot_general3A_11 : vector<512x2048xf32>
    %sub3A = arith.subf %add3A_16, %mul3A_18 : vector<512x2048xf32>
    %reduce_min3A = arith.constant dense<0x7F800000> : vector<512xf32>
    %reduce_min3A_19 = vector.multi_reduction <minimumf>, %sub3A, %reduce_min3A [1] : vector<512x2048xf32> to vector<512xf32>
    %broadcast_in_dim3A_20 = vector.shape_cast %reduce_min3A_19 : vector<512xf32> to vector<512x1xf32>
    %iota3A = tpu.iota {dimensions = array<i32: 1>} : vector<512x2048xi32>
    %eq3A = vector.broadcast %broadcast_in_dim3A_20 : vector<512x1xf32> to vector<512x2048xf32>
    %eq3A_21 = arith.cmpf oeq, %sub3A, %eq3A : vector<512x2048xf32>
    %jit3A = arith.constant 8192 : i32
    %broadcast_in_dim3A_22 = vector.broadcast %jit3A : i32 to vector<512x2048xi32>
    %select_n3A = arith.select %eq3A_21, %iota3A, %broadcast_in_dim3A_22 : vector<512x2048xi1>, vector<512x2048xi32>
    %reduce_min3A_23 = arith.constant dense<2147483647> : vector<512xi32>
    %reduce_min3A_24 = vector.multi_reduction <minsi>, %select_n3A, %reduce_min3A_23 [1] : vector<512x2048xi32> to vector<512xi32>
    %broadcast_in_dim3A_25 = vector.shape_cast %reduce_min3A_24 : vector<512xi32> to vector<512x1xi32>
    %add3A_26 = arith.constant 0 : i32
    %add3A_27 = vector.broadcast %add3A_26 : i32 to vector<512x1xi32>
    %add3A_28 = arith.addi %broadcast_in_dim3A_25, %add3A_27 : vector<512x1xi32>
    %lt3A = arith.cmpf olt, %broadcast_in_dim3A_20, %broadcast_in_dim3A_5 : vector<512x1xf32>
    %select_n3A_29 = arith.select %lt3A, %broadcast_in_dim3A_20, %broadcast_in_dim3A_5 : vector<512x1xi1>, vector<512x1xf32>
    %select_n3A_30 = arith.select %lt3A, %add3A_28, %broadcast_in_dim3A_7 : vector<512x1xi1>, vector<512x1xi32>
    %get3A_31 = arith.constant 2048 : index
    %get3A_32 = arith.constant 0 : index
    %get3A_33 = vector.load %arg4[%get3A_31, %get3A_32] : memref<8192x256xf32, #tpu.memory_space<vmem>>, vector<2048x256xf32>
    %dot_general3A_34 = arith.constant dense<0.000000e+00> : vector<512x2048xf32>
    %dot_general3A_35 = tpu.matmul %get3A_1, %get3A_33, %dot_general3A_34 {dimension_numbers = #tpu.dot_dimension_numbers<[1], [1], [0], [0], [0, 0, 1, 0], [], []>, transpose_lhs_hint = false} : vector<512x256xf32>, vector<2048x256xf32>, vector<512x2048xf32> -> vector<512x2048xf32>
    %get3A_36 = arith.constant 0 : index
    %get3A_37 = arith.constant 2048 : index
    %get3A_38 = vector.load %arg3[%get3A_36, %get3A_37] : memref<1x8192xf32, #tpu.memory_space<vmem>>, vector<1x2048xf32>
    %add3A_39 = vector.broadcast %get3A_4 : vector<512x1xf32> to vector<512x2048xf32>
    %add3A_40 = vector.broadcast %get3A_38 : vector<1x2048xf32> to vector<512x2048xf32>
    %add3A_41 = arith.addf %add3A_39, %add3A_40 : vector<512x2048xf32>
    %mul3A_42 = arith.constant 2.000000e+00 : f32
    %mul3A_43 = vector.broadcast %mul3A_42 : f32 to vector<512x2048xf32>
    %mul3A_44 = arith.mulf %mul3A_43, %dot_general3A_35 : vector<512x2048xf32>
    %sub3A_45 = arith.subf %add3A_41, %mul3A_44 : vector<512x2048xf32>
    %reduce_min3A_46 = arith.constant dense<0x7F800000> : vector<512xf32>
    %reduce_min3A_47 = vector.multi_reduction <minimumf>, %sub3A_45, %reduce_min3A_46 [1] : vector<512x2048xf32> to vector<512xf32>
    %broadcast_in_dim3A_48 = vector.shape_cast %reduce_min3A_47 : vector<512xf32> to vector<512x1xf32>
    %iota3A_49 = tpu.iota {dimensions = array<i32: 1>} : vector<512x2048xi32>
    %eq3A_50 = vector.broadcast %broadcast_in_dim3A_48 : vector<512x1xf32> to vector<512x2048xf32>
    %eq3A_51 = arith.cmpf oeq, %sub3A_45, %eq3A_50 : vector<512x2048xf32>
    %jit3A_52 = arith.constant 8192 : i32
    %broadcast_in_dim3A_53 = vector.broadcast %jit3A_52 : i32 to vector<512x2048xi32>
    %select_n3A_54 = arith.select %eq3A_51, %iota3A_49, %broadcast_in_dim3A_53 : vector<512x2048xi1>, vector<512x2048xi32>
    %reduce_min3A_55 = arith.constant dense<2147483647> : vector<512xi32>
    %reduce_min3A_56 = vector.multi_reduction <minsi>, %select_n3A_54, %reduce_min3A_55 [1] : vector<512x2048xi32> to vector<512xi32>
    %broadcast_in_dim3A_57 = vector.shape_cast %reduce_min3A_56 : vector<512xi32> to vector<512x1xi32>
    %add3A_58 = arith.constant 2048 : i32
    %add3A_59 = vector.broadcast %add3A_58 : i32 to vector<512x1xi32>
    %add3A_60 = arith.addi %broadcast_in_dim3A_57, %add3A_59 : vector<512x1xi32>
    %lt3A_61 = arith.cmpf olt, %broadcast_in_dim3A_48, %select_n3A_29 : vector<512x1xf32>
    %select_n3A_62 = arith.select %lt3A_61, %broadcast_in_dim3A_48, %select_n3A_29 : vector<512x1xi1>, vector<512x1xf32>
    %select_n3A_63 = arith.select %lt3A_61, %add3A_60, %select_n3A_30 : vector<512x1xi1>, vector<512x1xi32>
    %get3A_64 = arith.constant 4096 : index
    %get3A_65 = arith.constant 0 : index
    %get3A_66 = vector.load %arg4[%get3A_64, %get3A_65] : memref<8192x256xf32, #tpu.memory_space<vmem>>, vector<2048x256xf32>
    %dot_general3A_67 = arith.constant dense<0.000000e+00> : vector<512x2048xf32>
    %dot_general3A_68 = tpu.matmul %get3A_1, %get3A_66, %dot_general3A_67 {dimension_numbers = #tpu.dot_dimension_numbers<[1], [1], [0], [0], [0, 0, 1, 0], [], []>, transpose_lhs_hint = false} : vector<512x256xf32>, vector<2048x256xf32>, vector<512x2048xf32> -> vector<512x2048xf32>
    %get3A_69 = arith.constant 0 : index
    %get3A_70 = arith.constant 4096 : index
    %get3A_71 = vector.load %arg3[%get3A_69, %get3A_70] : memref<1x8192xf32, #tpu.memory_space<vmem>>, vector<1x2048xf32>
    %add3A_72 = vector.broadcast %get3A_4 : vector<512x1xf32> to vector<512x2048xf32>
    %add3A_73 = vector.broadcast %get3A_71 : vector<1x2048xf32> to vector<512x2048xf32>
    %add3A_74 = arith.addf %add3A_72, %add3A_73 : vector<512x2048xf32>
    %mul3A_75 = arith.constant 2.000000e+00 : f32
    %mul3A_76 = vector.broadcast %mul3A_75 : f32 to vector<512x2048xf32>
    %mul3A_77 = arith.mulf %mul3A_76, %dot_general3A_68 : vector<512x2048xf32>
    %sub3A_78 = arith.subf %add3A_74, %mul3A_77 : vector<512x2048xf32>
    %reduce_min3A_79 = arith.constant dense<0x7F800000> : vector<512xf32>
    %reduce_min3A_80 = vector.multi_reduction <minimumf>, %sub3A_78, %reduce_min3A_79 [1] : vector<512x2048xf32> to vector<512xf32>
    %broadcast_in_dim3A_81 = vector.shape_cast %reduce_min3A_80 : vector<512xf32> to vector<512x1xf32>
    %iota3A_82 = tpu.iota {dimensions = array<i32: 1>} : vector<512x2048xi32>
    %eq3A_83 = vector.broadcast %broadcast_in_dim3A_81 : vector<512x1xf32> to vector<512x2048xf32>
    %eq3A_84 = arith.cmpf oeq, %sub3A_78, %eq3A_83 : vector<512x2048xf32>
    %jit3A_85 = arith.constant 8192 : i32
    %broadcast_in_dim3A_86 = vector.broadcast %jit3A_85 : i32 to vector<512x2048xi32>
    %select_n3A_87 = arith.select %eq3A_84, %iota3A_82, %broadcast_in_dim3A_86 : vector<512x2048xi1>, vector<512x2048xi32>
    %reduce_min3A_88 = arith.constant dense<2147483647> : vector<512xi32>
    %reduce_min3A_89 = vector.multi_reduction <minsi>, %select_n3A_87, %reduce_min3A_88 [1] : vector<512x2048xi32> to vector<512xi32>
    %broadcast_in_dim3A_90 = vector.shape_cast %reduce_min3A_89 : vector<512xi32> to vector<512x1xi32>
    %add3A_91 = arith.constant 4096 : i32
    %add3A_92 = vector.broadcast %add3A_91 : i32 to vector<512x1xi32>
    %add3A_93 = arith.addi %broadcast_in_dim3A_90, %add3A_92 : vector<512x1xi32>
    %lt3A_94 = arith.cmpf olt, %broadcast_in_dim3A_81, %select_n3A_62 : vector<512x1xf32>
    %select_n3A_95 = arith.select %lt3A_94, %broadcast_in_dim3A_81, %select_n3A_62 : vector<512x1xi1>, vector<512x1xf32>
    %select_n3A_96 = arith.select %lt3A_94, %add3A_93, %select_n3A_63 : vector<512x1xi1>, vector<512x1xi32>
    %get3A_97 = arith.constant 6144 : index
    %get3A_98 = arith.constant 0 : index
    %get3A_99 = vector.load %arg4[%get3A_97, %get3A_98] : memref<8192x256xf32, #tpu.memory_space<vmem>>, vector<2048x256xf32>
    %dot_general3A_100 = arith.constant dense<0.000000e+00> : vector<512x2048xf32>
    %dot_general3A_101 = tpu.matmul %get3A_1, %get3A_99, %dot_general3A_100 {dimension_numbers = #tpu.dot_dimension_numbers<[1], [1], [0], [0], [0, 0, 1, 0], [], []>, transpose_lhs_hint = false} : vector<512x256xf32>, vector<2048x256xf32>, vector<512x2048xf32> -> vector<512x2048xf32>
    %get3A_102 = arith.constant 0 : index
    %get3A_103 = arith.constant 6144 : index
    %get3A_104 = vector.load %arg3[%get3A_102, %get3A_103] : memref<1x8192xf32, #tpu.memory_space<vmem>>, vector<1x2048xf32>
    %add3A_105 = vector.broadcast %get3A_4 : vector<512x1xf32> to vector<512x2048xf32>
    %add3A_106 = vector.broadcast %get3A_104 : vector<1x2048xf32> to vector<512x2048xf32>
    %add3A_107 = arith.addf %add3A_105, %add3A_106 : vector<512x2048xf32>
    %mul3A_108 = arith.constant 2.000000e+00 : f32
    %mul3A_109 = vector.broadcast %mul3A_108 : f32 to vector<512x2048xf32>
    %mul3A_110 = arith.mulf %mul3A_109, %dot_general3A_101 : vector<512x2048xf32>
    %sub3A_111 = arith.subf %add3A_107, %mul3A_110 : vector<512x2048xf32>
    %reduce_min3A_112 = arith.constant dense<0x7F800000> : vector<512xf32>
    %reduce_min3A_113 = vector.multi_reduction <minimumf>, %sub3A_111, %reduce_min3A_112 [1] : vector<512x2048xf32> to vector<512xf32>
    %broadcast_in_dim3A_114 = vector.shape_cast %reduce_min3A_113 : vector<512xf32> to vector<512x1xf32>
    %iota3A_115 = tpu.iota {dimensions = array<i32: 1>} : vector<512x2048xi32>
    %eq3A_116 = vector.broadcast %broadcast_in_dim3A_114 : vector<512x1xf32> to vector<512x2048xf32>
    %eq3A_117 = arith.cmpf oeq, %sub3A_111, %eq3A_116 : vector<512x2048xf32>
    %jit3A_118 = arith.constant 8192 : i32
    %broadcast_in_dim3A_119 = vector.broadcast %jit3A_118 : i32 to vector<512x2048xi32>
    %select_n3A_120 = arith.select %eq3A_117, %iota3A_115, %broadcast_in_dim3A_119 : vector<512x2048xi1>, vector<512x2048xi32>
    %reduce_min3A_121 = arith.constant dense<2147483647> : vector<512xi32>
    %reduce_min3A_122 = vector.multi_reduction <minsi>, %select_n3A_120, %reduce_min3A_121 [1] : vector<512x2048xi32> to vector<512xi32>
    %broadcast_in_dim3A_123 = vector.shape_cast %reduce_min3A_122 : vector<512xi32> to vector<512x1xi32>
    %add3A_124 = arith.constant 6144 : i32
    %add3A_125 = vector.broadcast %add3A_124 : i32 to vector<512x1xi32>
    %add3A_126 = arith.addi %broadcast_in_dim3A_123, %add3A_125 : vector<512x1xi32>
    %lt3A_127 = arith.cmpf olt, %broadcast_in_dim3A_114, %select_n3A_95 : vector<512x1xf32>
    %select_n3A_128 = arith.select %lt3A_127, %broadcast_in_dim3A_114, %select_n3A_95 : vector<512x1xi1>, vector<512x1xf32>
    %select_n3A_129 = arith.select %lt3A_127, %add3A_126, %select_n3A_96 : vector<512x1xi1>, vector<512x1xi32>
    %swap3A = arith.constant 0 : index
    %swap3A_130 = arith.constant 0 : index
    %swap3A_131 = arith.constant 0 : index
    %swap3A_132 = vector.load %arg5[%swap3A, %swap3A_130, %swap3A_131] : memref<1x512x1xi32, #tpu.memory_space<vmem>>, vector<1x512x1xi32>
    %swap3A_133 = vector.shape_cast %swap3A_132 : vector<1x512x1xi32> to vector<512x1xi32>
    %swap3A_134 = vector.shape_cast %select_n3A_129 : vector<512x1xi32> to vector<1x512x1xi32>
    tpu.vector_store %arg5[%swap3A, %swap3A_130, %swap3A_131], %swap3A_134 {strides = array<i32>} : memref<1x512x1xi32, #tpu.memory_space<vmem>>, vector<1x512x1xi32>,
    %reduce_sum3A = vector.shape_cast %select_n3A_128 : vector<512x1xf32> to vector<1x512x1xf32>
    %reduce_sum3A_135 = arith.constant dense<0.000000e+00> : vector<1xf32>
    %reduce_sum3A_136 = vector.multi_reduction <add>, %reduce_sum3A, %reduce_sum3A_135 [1, 2] : vector<1x512x1xf32> to vector<1xf32>
    %reduce_sum3A_137 = vector.shape_cast %reduce_sum3A_136 : vector<1xf32> to vector<1x1x1xf32>
    %reduce_sum3A_138 = vector.extract %reduce_sum3A_137[0, 0, 0] : f32 from vector<1x1x1xf32>
    %reshape3A = vector.broadcast %reduce_sum3A_138 : f32 to vector<1x1x1xf32>
    %swap3A_139 = arith.constant 0 : index
    %swap3A_140 = arith.constant 0 : index
    %swap3A_141 = arith.constant 0 : index
    %swap3A_142 = vector.load %arg6[%swap3A_139, %swap3A_140, %swap3A_141] : memref<1x1x1xf32, #tpu.memory_space<vmem>>, vector<1x1x1xf32>
    tpu.vector_store %arg6[%swap3A_139, %swap3A_140, %swap3A_141], %reshape3A {strides = array<i32>} : memref<1x1x1xf32, #tpu.memory_space<vmem>>, vector<1x1x1xf32>,
    return
  }
  func.func @transform_0(%arg0: i32) -> (i32, i32) {
    %c0_i32 = arith.constant 0 : i32
    %c0_i32_0 = arith.constant 0 : i32
    return %arg0, %c0_i32 : i32, i32
  }
  func.func @transform_1(%arg0: i32) -> (i32, i32) {
    %c0_i32 = arith.constant 0 : i32
    %c0_i32_0 = arith.constant 0 : i32
    return %arg0, %c0_i32 : i32, i32
  }
  func.func @transform_2(%arg0: i32) -> (i32, i32) {
    %c0_i32 = arith.constant 0 : i32
    %c0_i32_0 = arith.constant 0 : i32
    %c0_i32_1 = arith.constant 0 : i32
    return %c0_i32, %c0_i32_0 : i32, i32
  }
  func.func @transform_3(%arg0: i32) -> (i32, i32) {
    %c0_i32 = arith.constant 0 : i32
    %c0_i32_0 = arith.constant 0 : i32
    %c0_i32_1 = arith.constant 0 : i32
    return %c0_i32, %c0_i32_0 : i32, i32
  }
  func.func @transform_4(%arg0: i32) -> (i32, i32, i32) {
    %c0_i32 = arith.constant 0 : i32
    %c0_i32_0 = arith.constant 0 : i32
    %c0_i32_1 = arith.constant 0 : i32
    return %arg0, %c0_i32, %c0_i32_0 : i32, i32, i32
  }
  func.func @transform_5(%arg0: i32) -> (i32, i32, i32) {
    %c0_i32 = arith.constant 0 : i32
    %c0_i32_0 = arith.constant 0 : i32
    %c0_i32_1 = arith.constant 0 : i32
    return %arg0, %c0_i32, %c0_i32_0 : i32, i32, i32
  }
}

module attributes {stable_mosaic.version = 14 : i64} {
  func.func @_cbb_body(%arg0: i32, %arg1: memref<1024x256xf32, #tpu.memory_space<vmem>>, %arg2: memref<256x128xf32, #tpu.memory_space<vmem>>, %arg3: memref<1x128xf32, #tpu.memory_space<vmem>>, %arg4: memref<1024x128xf32, #tpu.memory_space<vmem>>) attributes {dimension_semantics = [#tpu.dimension_semantics<parallel>], iteration_bounds = array<i64: 8>, scalar_prefetch = 0 : i64, scratch_operands = 0 : i64, tpu.core_type = #tpu.core_type<tc>, window_params = [{transform_indices = @transform_0, window_bounds = array<i64: 1024, 256>}, {pipeline_mode = #tpu.pipeline_mode<synchronous>, transform_indices = @transform_1, window_bounds = array<i64: 256, 128>}, {pipeline_mode = #tpu.pipeline_mode<synchronous>, transform_indices = @transform_2, window_bounds = array<i64: 1, 128>}, {transform_indices = @transform_3, window_bounds = array<i64: 1024, 128>}]} {
    %get3A = arith.constant 0 : index
    %get3A_0 = arith.constant 0 : index
    %get3A_1 = vector.load %arg1[%get3A, %get3A_0] : memref<1024x256xf32, #tpu.memory_space<vmem>>, vector<1024x256xf32>
    %get3A_2 = arith.constant 0 : index
    %get3A_3 = arith.constant 0 : index
    %get3A_4 = vector.load %arg2[%get3A_2, %get3A_3] : memref<256x128xf32, #tpu.memory_space<vmem>>, vector<256x128xf32>
    %dot_general3A = arith.constant dense<0.000000e+00> : vector<1024x128xf32>
    %dot_general3A_5 = tpu.matmul %get3A_1, %get3A_4, %dot_general3A {dimension_numbers = #tpu.dot_dimension_numbers<[1], [0], [0], [1], [0, 0, 1, 1], [], []>, transpose_lhs_hint = false} : vector<1024x256xf32>, vector<256x128xf32>, vector<1024x128xf32> -> vector<1024x128xf32>
    %get3A_6 = arith.constant 0 : index
    %get3A_7 = arith.constant 0 : index
    %get3A_8 = vector.load %arg3[%get3A_6, %get3A_7] : memref<1x128xf32, #tpu.memory_space<vmem>>, vector<1x128xf32>
    %add3A = vector.broadcast %get3A_8 : vector<1x128xf32> to vector<1024x128xf32>
    %add3A_9 = arith.addf %dot_general3A_5, %add3A : vector<1024x128xf32>
    %swap3A = arith.constant 0 : index
    %swap3A_10 = arith.constant 0 : index
    %swap3A_11 = vector.load %arg4[%swap3A, %swap3A_10] : memref<1024x128xf32, #tpu.memory_space<vmem>>, vector<1024x128xf32>
    tpu.vector_store %arg4[%swap3A, %swap3A_10], %add3A_9 {strides = array<i32>} : memref<1024x128xf32, #tpu.memory_space<vmem>>, vector<1024x128xf32>,
    return
  }
  func.func @transform_0(%arg0: i32) -> (i32, i32) {
    %c0_i32 = arith.constant 0 : i32
    %c0_i32_0 = arith.constant 0 : i32
    return %arg0, %c0_i32 : i32, i32
  }
  func.func @transform_1(%arg0: i32) -> (i32, i32) {
    %c0_i32 = arith.constant 0 : i32
    %c0_i32_0 = arith.constant 0 : i32
    %c0_i32_1 = arith.constant 0 : i32
    return %c0_i32, %c0_i32_0 : i32, i32
  }
  func.func @transform_2(%arg0: i32) -> (i32, i32) {
    %c0_i32 = arith.constant 0 : i32
    %c0_i32_0 = arith.constant 0 : i32
    %c0_i32_1 = arith.constant 0 : i32
    return %c0_i32, %c0_i32_0 : i32, i32
  }
  func.func @transform_3(%arg0: i32) -> (i32, i32) {
    %c0_i32 = arith.constant 0 : i32
    %c0_i32_0 = arith.constant 0 : i32
    return %arg0, %c0_i32 : i32, i32
  }
}

module attributes {stable_mosaic.version = 14 : i64} {
  func.func @_stat_body(%arg0: memref<8192x1xi32, #tpu.memory_space<vmem>>, %arg1: memref<16x1x1xf32, #tpu.memory_space<vmem>>, %arg2: memref<1x1xf32, #tpu.memory_space<vmem>>, %arg3: memref<1x1xf32, #tpu.memory_space<vmem>>) attributes {dimension_semantics = [], scalar_prefetch = 0 : i64, scratch_operands = 0 : i64, tpu.core_type = #tpu.core_type<tc>} {
    %get3A = arith.constant 0 : index
    %get3A_0 = arith.constant 0 : index
    %get3A_1 = vector.load %arg0[%get3A, %get3A_0] : memref<8192x1xi32, #tpu.memory_space<vmem>>, vector<8192x1xi32>
    %jit3A = arith.constant 128 : i32
    %div3A = vector.broadcast %jit3A : i32 to vector<8192x1xi32>
    %div3A_2 = arith.divsi %get3A_1, %div3A : vector<8192x1xi32>
    %sign3A = arith.constant 0 : i32
    %sign3A_3 = vector.broadcast %sign3A : i32 to vector<8192x1xi32>
    %sign3A_4 = arith.cmpi sgt, %get3A_1, %sign3A_3 : vector<8192x1xi32>
    %sign3A_5 = arith.extui %sign3A_4 : vector<8192x1xi1> to vector<8192x1xi32>
    %sign3A_6 = arith.constant 0 : i32
    %sign3A_7 = vector.broadcast %sign3A_6 : i32 to vector<8192x1xi32>
    %sign3A_8 = arith.cmpi slt, %get3A_1, %sign3A_7 : vector<8192x1xi32>
    %sign3A_9 = arith.extui %sign3A_8 : vector<8192x1xi1> to vector<8192x1xi32>
    %sign3A_10 = arith.subi %sign3A_5, %sign3A_9 : vector<8192x1xi32>
    %sign3A_11 = arith.constant 0 : i32
    %sign3A_12 = arith.cmpi sgt, %jit3A, %sign3A_11 : i32
    %sign3A_13 = arith.extui %sign3A_12 : i1 to i32
    %sign3A_14 = arith.constant 0 : i32
    %sign3A_15 = arith.cmpi slt, %jit3A, %sign3A_14 : i32
    %sign3A_16 = arith.extui %sign3A_15 : i1 to i32
    %sign3A_17 = arith.subi %sign3A_13, %sign3A_16 : i32
    %ne3A = vector.broadcast %sign3A_17 : i32 to vector<8192x1xi32>
    %ne3A_18 = arith.cmpi ne, %sign3A_10, %ne3A : vector<8192x1xi32>
    %rem3A = vector.broadcast %jit3A : i32 to vector<8192x1xi32>
    %rem3A_19 = arith.remsi %get3A_1, %rem3A : vector<8192x1xi32>
    %ne3A_20 = arith.constant 0 : i32
    %ne3A_21 = vector.broadcast %ne3A_20 : i32 to vector<8192x1xi32>
    %ne3A_22 = arith.cmpi ne, %rem3A_19, %ne3A_21 : vector<8192x1xi32>
    %and3A = arith.andi %ne3A_18, %ne3A_22 : vector<8192x1xi1>
    %sub3A = arith.constant 1 : i32
    %sub3A_23 = vector.broadcast %sub3A : i32 to vector<8192x1xi32>
    %sub3A_24 = arith.subi %div3A_2, %sub3A_23 : vector<8192x1xi32>
    %select_n3A = arith.select %and3A, %sub3A_24, %div3A_2 : vector<8192x1xi1>, vector<8192x1xi32>
    %mul3A = arith.constant 128 : i32
    %mul3A_25 = vector.broadcast %mul3A : i32 to vector<8192x1xi32>
    %mul3A_26 = arith.muli %select_n3A, %mul3A_25 : vector<8192x1xi32>
    %sub3A_27 = arith.subi %get3A_1, %mul3A_26 : vector<8192x1xi32>
    %iota3A = tpu.iota {dimensions = array<i32: 1>} : vector<8192x64xi32>
    %eq3A = vector.broadcast %select_n3A : vector<8192x1xi32> to vector<8192x64xi32>
    %eq3A_28 = arith.cmpi eq, %eq3A, %iota3A : vector<8192x64xi32>
    %convert_element_type3A = arith.extui %eq3A_28 : vector<8192x64xi1> to vector<8192x64xi32>
    %convert_element_type3A_29 = arith.sitofp %convert_element_type3A : vector<8192x64xi32> to vector<8192x64xf32>
    %iota3A_30 = tpu.iota {dimensions = array<i32: 1>} : vector<8192x128xi32>
    %eq3A_31 = vector.broadcast %sub3A_27 : vector<8192x1xi32> to vector<8192x128xi32>
    %eq3A_32 = arith.cmpi eq, %eq3A_31, %iota3A_30 : vector<8192x128xi32>
    %convert_element_type3A_33 = arith.extui %eq3A_32 : vector<8192x128xi1> to vector<8192x128xi32>
    %convert_element_type3A_34 = arith.sitofp %convert_element_type3A_33 : vector<8192x128xi32> to vector<8192x128xf32>
    %dot_general3A = arith.constant dense<0.000000e+00> : vector<64x128xf32>
    %dot_general3A_35 = tpu.matmul %convert_element_type3A_29, %convert_element_type3A_34, %dot_general3A {dimension_numbers = #tpu.dot_dimension_numbers<[0], [0], [1], [1], [0, 1, 1, 1], [], []>, transpose_lhs_hint = false} : vector<8192x64xf32>, vector<8192x128xf32>, vector<64x128xf32> -> vector<64x128xf32>
    %div3A_36 = arith.constant 8.192000e+03 : f32
    %div3A_37 = vector.broadcast %div3A_36 : f32 to vector<64x128xf32>
    %div3A_38 = arith.divf %dot_general3A_35, %div3A_37 : vector<64x128xf32>
    %add3A = arith.constant 9.99999996E-13 : f32
    %add3A_39 = vector.broadcast %add3A : f32 to vector<64x128xf32>
    %add3A_40 = arith.addf %div3A_38, %add3A_39 : vector<64x128xf32>
    %log3A = math.log %add3A_40 : vector<64x128xf32>
    %mul3A_41 = arith.mulf %div3A_38, %log3A : vector<64x128xf32>
    %reduce_sum3A = vector.shape_cast %mul3A_41 : vector<64x128xf32> to vector<1x64x128xf32>
    %reduce_sum3A_42 = arith.constant dense<0.000000e+00> : vector<1xf32>
    %reduce_sum3A_43 = vector.multi_reduction <add>, %reduce_sum3A, %reduce_sum3A_42 [1, 2] : vector<1x64x128xf32> to vector<1xf32>
    %reduce_sum3A_44 = vector.shape_cast %reduce_sum3A_43 : vector<1xf32> to vector<1x1x1xf32>
    %reduce_sum3A_45 = vector.extract %reduce_sum3A_44[0, 0, 0] : f32 from vector<1x1x1xf32>
    %neg3A = arith.constant 0.000000e+00 : f32
    %neg3A_46 = arith.subf %neg3A, %reduce_sum3A_45 : f32
    %exp3A = math.exp %neg3A_46 : f32
    %reshape3A = vector.broadcast %exp3A : f32 to vector<1x1xf32>
    %swap3A = arith.constant 0 : index
    %swap3A_47 = arith.constant 0 : index
    %swap3A_48 = vector.load %arg2[%swap3A, %swap3A_47] : memref<1x1xf32, #tpu.memory_space<vmem>>, vector<1x1xf32>
    tpu.vector_store %arg2[%swap3A, %swap3A_47], %reshape3A {strides = array<i32>} : memref<1x1xf32, #tpu.memory_space<vmem>>, vector<1x1xf32>,
    %get3A_49 = arith.constant 0 : index
    %get3A_50 = arith.constant 0 : index
    %get3A_51 = arith.constant 0 : index
    %get3A_52 = vector.load %arg1[%get3A_49, %get3A_50, %get3A_51] : memref<16x1x1xf32, #tpu.memory_space<vmem>>, vector<16x1x1xf32>
    %reduce_sum3A_53 = vector.shape_cast %get3A_52 : vector<16x1x1xf32> to vector<1x16x1x1xf32>
    %reduce_sum3A_54 = arith.constant dense<0.000000e+00> : vector<1xf32>
    %reduce_sum3A_55 = vector.multi_reduction <add>, %reduce_sum3A_53, %reduce_sum3A_54 [1, 2, 3] : vector<1x16x1x1xf32> to vector<1xf32>
    %reduce_sum3A_56 = vector.shape_cast %reduce_sum3A_55 : vector<1xf32> to vector<1x1x1x1xf32>
    %reduce_sum3A_57 = vector.extract %reduce_sum3A_56[0, 0, 0, 0] : f32 from vector<1x1x1x1xf32>
    %mul3A_58 = arith.constant 5.96046448E-7 : f32
    %mul3A_59 = arith.mulf %reduce_sum3A_57, %mul3A_58 : f32
    %reshape3A_60 = vector.broadcast %mul3A_59 : f32 to vector<1x1xf32>
    %swap3A_61 = arith.constant 0 : index
    %swap3A_62 = arith.constant 0 : index
    %swap3A_63 = vector.load %arg3[%swap3A_61, %swap3A_62] : memref<1x1xf32, #tpu.memory_space<vmem>>, vector<1x1xf32>
    tpu.vector_store %arg3[%swap3A_61, %swap3A_62], %reshape3A_60 {strides = array<i32>} : memref<1x1xf32, #tpu.memory_space<vmem>>, vector<1x1xf32>,
    return
  }
}

module attributes {stable_mosaic.version = 14 : i64} {
  func.func @_dec_body(%arg0: i32, %arg1: memref<1024x128xf32, #tpu.memory_space<vmem>>, %arg2: memref<128x128xf32, #tpu.memory_space<vmem>>, %arg3: memref<1x128xf32, #tpu.memory_space<vmem>>, %arg4: memref<128x16xf32, #tpu.memory_space<vmem>>, %arg5: memref<1x16xf32, #tpu.memory_space<vmem>>, %arg6: memref<128x32xf32, #tpu.memory_space<vmem>>, %arg7: memref<1x32xf32, #tpu.memory_space<vmem>>, %arg8: memref<128x64xf32, #tpu.memory_space<vmem>>, %arg9: memref<1x64xf32, #tpu.memory_space<vmem>>, %arg10: memref<8x1024xf32, #tpu.memory_space<vmem>>, %arg11: memref<1024x16xf32, #tpu.memory_space<vmem>>, %arg12: memref<1024x32xf32, #tpu.memory_space<vmem>>, %arg13: memref<1024x64xf32, #tpu.memory_space<vmem>>, %arg14: memref<8x128xf32, #tpu.memory_space<vmem>>) attributes {dimension_semantics = [#tpu.dimension_semantics<parallel>], iteration_bounds = array<i64: 8>, scalar_prefetch = 0 : i64, scratch_operands = 0 : i64, tpu.core_type = #tpu.core_type<tc>, window_params = [{transform_indices = @transform_0, window_bounds = array<i64: 1024, 128>}, {pipeline_mode = #tpu.pipeline_mode<synchronous>, transform_indices = @transform_1, window_bounds = array<i64: 128, 128>}, {pipeline_mode = #tpu.pipeline_mode<synchronous>, transform_indices = @transform_2, window_bounds = array<i64: 1, 128>}, {pipeline_mode = #tpu.pipeline_mode<synchronous>, transform_indices = @transform_3, window_bounds = array<i64: 128, 16>}, {pipeline_mode = #tpu.pipeline_mode<synchronous>, transform_indices = @transform_4, window_bounds = array<i64: 1, 16>}, {pipeline_mode = #tpu.pipeline_mode<synchronous>, transform_indices = @transform_5, window_bounds = array<i64: 128, 32>}, {pipeline_mode = #tpu.pipeline_mode<synchronous>, transform_indices = @transform_6, window_bounds = array<i64: 1, 32>}, {pipeline_mode = #tpu.pipeline_mode<synchronous>, transform_indices = @transform_7, window_bounds = array<i64: 128, 64>}, {pipeline_mode = #tpu.pipeline_mode<synchronous>, transform_indices = @transform_8, window_bounds = array<i64: 1, 64>}, {pipeline_mode = #tpu.pipeline_mode<synchronous>, transform_indices = @transform_9, window_bounds = array<i64: 8, 1024>}, {transform_indices = @transform_10, window_bounds = array<i64: 1024, 16>}, {transform_indices = @transform_11, window_bounds = array<i64: 1024, 32>}, {transform_indices = @transform_12, window_bounds = array<i64: 1024, 64>}, {transform_indices = @transform_13, window_bounds = array<i64: 8, 128>}]} {
    %get3A = arith.constant 0 : index
    %get3A_0 = arith.constant 0 : index
    %get3A_1 = vector.load %arg1[%get3A, %get3A_0] : memref<1024x128xf32, #tpu.memory_space<vmem>>, vector<1024x128xf32>
    %max3A = arith.constant 0.000000e+00 : f32
    %max3A_2 = vector.broadcast %max3A : f32 to vector<1024x128xf32>
    %max3A_3 = arith.maximumf %get3A_1, %max3A_2 : vector<1024x128xf32>
    %get3A_4 = arith.constant 0 : index
    %get3A_5 = arith.constant 0 : index
    %get3A_6 = vector.load %arg2[%get3A_4, %get3A_5] : memref<128x128xf32, #tpu.memory_space<vmem>>, vector<128x128xf32>
    %dot_general3A = arith.constant dense<0.000000e+00> : vector<1024x128xf32>
    %dot_general3A_7 = tpu.matmul %max3A_3, %get3A_6, %dot_general3A {dimension_numbers = #tpu.dot_dimension_numbers<[1], [0], [0], [1], [0, 0, 1, 1], [], []>, transpose_lhs_hint = false} : vector<1024x128xf32>, vector<128x128xf32>, vector<1024x128xf32> -> vector<1024x128xf32>
    %get3A_8 = arith.constant 0 : index
    %get3A_9 = arith.constant 0 : index
    %get3A_10 = vector.load %arg3[%get3A_8, %get3A_9] : memref<1x128xf32, #tpu.memory_space<vmem>>, vector<1x128xf32>
    %add3A = vector.broadcast %get3A_10 : vector<1x128xf32> to vector<1024x128xf32>
    %add3A_11 = arith.addf %dot_general3A_7, %add3A : vector<1024x128xf32>
    %max3A_12 = arith.constant 0.000000e+00 : f32
    %max3A_13 = vector.broadcast %max3A_12 : f32 to vector<1024x128xf32>
    %max3A_14 = arith.maximumf %add3A_11, %max3A_13 : vector<1024x128xf32>
    %get3A_15 = arith.constant 0 : index
    %get3A_16 = arith.constant 0 : index
    %get3A_17 = vector.load %arg4[%get3A_15, %get3A_16] : memref<128x16xf32, #tpu.memory_space<vmem>>, vector<128x16xf32>
    %dot_general3A_18 = arith.constant dense<0.000000e+00> : vector<1024x16xf32>
    %dot_general3A_19 = tpu.matmul %max3A_14, %get3A_17, %dot_general3A_18 {dimension_numbers = #tpu.dot_dimension_numbers<[1], [0], [0], [1], [0, 0, 1, 1], [], []>, transpose_lhs_hint = false} : vector<1024x128xf32>, vector<128x16xf32>, vector<1024x16xf32> -> vector<1024x16xf32>
    %get3A_20 = arith.constant 0 : index
    %get3A_21 = arith.constant 0 : index
    %get3A_22 = vector.load %arg5[%get3A_20, %get3A_21] : memref<1x16xf32, #tpu.memory_space<vmem>>, vector<1x16xf32>
    %add3A_23 = vector.broadcast %get3A_22 : vector<1x16xf32> to vector<1024x16xf32>
    %add3A_24 = arith.addf %dot_general3A_19, %add3A_23 : vector<1024x16xf32>
    %swap3A = arith.constant 0 : index
    %swap3A_25 = arith.constant 0 : index
    %swap3A_26 = vector.load %arg11[%swap3A, %swap3A_25] : memref<1024x16xf32, #tpu.memory_space<vmem>>, vector<1024x16xf32>
    tpu.vector_store %arg11[%swap3A, %swap3A_25], %add3A_24 {strides = array<i32>} : memref<1024x16xf32, #tpu.memory_space<vmem>>, vector<1024x16xf32>,
    %get3A_27 = arith.constant 0 : index
    %get3A_28 = arith.constant 0 : index
    %get3A_29 = vector.load %arg6[%get3A_27, %get3A_28] : memref<128x32xf32, #tpu.memory_space<vmem>>, vector<128x32xf32>
    %dot_general3A_30 = arith.constant dense<0.000000e+00> : vector<1024x32xf32>
    %dot_general3A_31 = tpu.matmul %max3A_14, %get3A_29, %dot_general3A_30 {dimension_numbers = #tpu.dot_dimension_numbers<[1], [0], [0], [1], [0, 0, 1, 1], [], []>, transpose_lhs_hint = false} : vector<1024x128xf32>, vector<128x32xf32>, vector<1024x32xf32> -> vector<1024x32xf32>
    %get3A_32 = arith.constant 0 : index
    %get3A_33 = arith.constant 0 : index
    %get3A_34 = vector.load %arg7[%get3A_32, %get3A_33] : memref<1x32xf32, #tpu.memory_space<vmem>>, vector<1x32xf32>
    %add3A_35 = vector.broadcast %get3A_34 : vector<1x32xf32> to vector<1024x32xf32>
    %add3A_36 = arith.addf %dot_general3A_31, %add3A_35 : vector<1024x32xf32>
    %swap3A_37 = arith.constant 0 : index
    %swap3A_38 = arith.constant 0 : index
    %swap3A_39 = vector.load %arg12[%swap3A_37, %swap3A_38] : memref<1024x32xf32, #tpu.memory_space<vmem>>, vector<1024x32xf32>
    tpu.vector_store %arg12[%swap3A_37, %swap3A_38], %add3A_36 {strides = array<i32>} : memref<1024x32xf32, #tpu.memory_space<vmem>>, vector<1024x32xf32>,
    %get3A_40 = arith.constant 0 : index
    %get3A_41 = arith.constant 0 : index
    %get3A_42 = vector.load %arg8[%get3A_40, %get3A_41] : memref<128x64xf32, #tpu.memory_space<vmem>>, vector<128x64xf32>
    %dot_general3A_43 = arith.constant dense<0.000000e+00> : vector<1024x64xf32>
    %dot_general3A_44 = tpu.matmul %max3A_14, %get3A_42, %dot_general3A_43 {dimension_numbers = #tpu.dot_dimension_numbers<[1], [0], [0], [1], [0, 0, 1, 1], [], []>, transpose_lhs_hint = false} : vector<1024x128xf32>, vector<128x64xf32>, vector<1024x64xf32> -> vector<1024x64xf32>
    %get3A_45 = arith.constant 0 : index
    %get3A_46 = arith.constant 0 : index
    %get3A_47 = vector.load %arg9[%get3A_45, %get3A_46] : memref<1x64xf32, #tpu.memory_space<vmem>>, vector<1x64xf32>
    %add3A_48 = vector.broadcast %get3A_47 : vector<1x64xf32> to vector<1024x64xf32>
    %add3A_49 = arith.addf %dot_general3A_44, %add3A_48 : vector<1024x64xf32>
    %swap3A_50 = arith.constant 0 : index
    %swap3A_51 = arith.constant 0 : index
    %swap3A_52 = vector.load %arg13[%swap3A_50, %swap3A_51] : memref<1024x64xf32, #tpu.memory_space<vmem>>, vector<1024x64xf32>
    tpu.vector_store %arg13[%swap3A_50, %swap3A_51], %add3A_49 {strides = array<i32>} : memref<1024x64xf32, #tpu.memory_space<vmem>>, vector<1024x64xf32>,
    %get3A_53 = arith.constant 0 : index
    %get3A_54 = arith.constant 0 : index
    %get3A_55 = vector.load %arg10[%get3A_53, %get3A_54] : memref<8x1024xf32, #tpu.memory_space<vmem>>, vector<8x1024xf32>
    %dot_general3A_56 = arith.constant dense<0.000000e+00> : vector<8x128xf32>
    %dot_general3A_57 = tpu.matmul %get3A_55, %max3A_14, %dot_general3A_56 {dimension_numbers = #tpu.dot_dimension_numbers<[1], [0], [0], [1], [0, 0, 1, 1], [], []>, precision = #tpu.contract_precision<fp32>, transpose_lhs_hint = false} : vector<8x1024xf32>, vector<1024x128xf32>, vector<8x128xf32> -> vector<8x128xf32>
    %swap3A_58 = arith.constant 0 : index
    %swap3A_59 = arith.constant 0 : index
    %swap3A_60 = vector.load %arg14[%swap3A_58, %swap3A_59] : memref<8x128xf32, #tpu.memory_space<vmem>>, vector<8x128xf32>
    tpu.vector_store %arg14[%swap3A_58, %swap3A_59], %dot_general3A_57 {strides = array<i32>} : memref<8x128xf32, #tpu.memory_space<vmem>>, vector<8x128xf32>,
    return
  }
  func.func @transform_0(%arg0: i32) -> (i32, i32) {
    %c0_i32 = arith.constant 0 : i32
    %c0_i32_0 = arith.constant 0 : i32
    return %arg0, %c0_i32 : i32, i32
  }
  func.func @transform_1(%arg0: i32) -> (i32, i32) {
    %c0_i32 = arith.constant 0 : i32
    %c0_i32_0 = arith.constant 0 : i32
    %c0_i32_1 = arith.constant 0 : i32
    return %c0_i32, %c0_i32_0 : i32, i32
  }
  func.func @transform_2(%arg0: i32) -> (i32, i32) {
    %c0_i32 = arith.constant 0 : i32
    %c0_i32_0 = arith.constant 0 : i32
    %c0_i32_1 = arith.constant 0 : i32
    return %c0_i32, %c0_i32_0 : i32, i32
  }
  func.func @transform_3(%arg0: i32) -> (i32, i32) {
    %c0_i32 = arith.constant 0 : i32
    %c0_i32_0 = arith.constant 0 : i32
    %c0_i32_1 = arith.constant 0 : i32
    return %c0_i32, %c0_i32_0 : i32, i32
  }
  func.func @transform_4(%arg0: i32) -> (i32, i32) {
    %c0_i32 = arith.constant 0 : i32
    %c0_i32_0 = arith.constant 0 : i32
    %c0_i32_1 = arith.constant 0 : i32
    return %c0_i32, %c0_i32_0 : i32, i32
  }
  func.func @transform_5(%arg0: i32) -> (i32, i32) {
    %c0_i32 = arith.constant 0 : i32
    %c0_i32_0 = arith.constant 0 : i32
    %c0_i32_1 = arith.constant 0 : i32
    return %c0_i32, %c0_i32_0 : i32, i32
  }
  func.func @transform_6(%arg0: i32) -> (i32, i32) {
    %c0_i32 = arith.constant 0 : i32
    %c0_i32_0 = arith.constant 0 : i32
    %c0_i32_1 = arith.constant 0 : i32
    return %c0_i32, %c0_i32_0 : i32, i32
  }
  func.func @transform_7(%arg0: i32) -> (i32, i32) {
    %c0_i32 = arith.constant 0 : i32
    %c0_i32_0 = arith.constant 0 : i32
    %c0_i32_1 = arith.constant 0 : i32
    return %c0_i32, %c0_i32_0 : i32, i32
  }
  func.func @transform_8(%arg0: i32) -> (i32, i32) {
    %c0_i32 = arith.constant 0 : i32
    %c0_i32_0 = arith.constant 0 : i32
    %c0_i32_1 = arith.constant 0 : i32
    return %c0_i32, %c0_i32_0 : i32, i32
  }
  func.func @transform_9(%arg0: i32) -> (i32, i32) {
    %c0_i32 = arith.constant 0 : i32
    %c0_i32_0 = arith.constant 0 : i32
    %c0_i32_1 = arith.constant 0 : i32
    return %c0_i32, %c0_i32_0 : i32, i32
  }
  func.func @transform_10(%arg0: i32) -> (i32, i32) {
    %c0_i32 = arith.constant 0 : i32
    %c0_i32_0 = arith.constant 0 : i32
    return %arg0, %c0_i32 : i32, i32
  }
  func.func @transform_11(%arg0: i32) -> (i32, i32) {
    %c0_i32 = arith.constant 0 : i32
    %c0_i32_0 = arith.constant 0 : i32
    return %arg0, %c0_i32 : i32, i32
  }
  func.func @transform_12(%arg0: i32) -> (i32, i32) {
    %c0_i32 = arith.constant 0 : i32
    %c0_i32_0 = arith.constant 0 : i32
    return %arg0, %c0_i32 : i32, i32
  }
  func.func @transform_13(%arg0: i32) -> (i32, i32) {
    %c0_i32 = arith.constant 0 : i32
    %c0_i32_0 = arith.constant 0 : i32
    return %arg0, %c0_i32 : i32, i32
  }
}

module attributes {stable_mosaic.version = 14 : i64} {
  func.func @_can_body(%arg0: memref<64x128xf32, #tpu.memory_space<vmem>>, %arg1: memref<128x128xf32, #tpu.memory_space<vmem>>, %arg2: memref<1x128xf32, #tpu.memory_space<vmem>>, %arg3: memref<128x1xf32, #tpu.memory_space<vmem>>, %arg4: memref<1x1xf32, #tpu.memory_space<vmem>>, %arg5: memref<64x1xf32, #tpu.memory_space<vmem>>) attributes {dimension_semantics = [], scalar_prefetch = 0 : i64, scratch_operands = 0 : i64, tpu.core_type = #tpu.core_type<tc>} {
    %get3A = arith.constant 0 : index
    %get3A_0 = arith.constant 0 : index
    %get3A_1 = vector.load %arg0[%get3A, %get3A_0] : memref<64x128xf32, #tpu.memory_space<vmem>>, vector<64x128xf32>
    %get3A_2 = arith.constant 0 : index
    %get3A_3 = arith.constant 0 : index
    %get3A_4 = vector.load %arg1[%get3A_2, %get3A_3] : memref<128x128xf32, #tpu.memory_space<vmem>>, vector<128x128xf32>
    %dot_general3A = arith.constant dense<0.000000e+00> : vector<64x128xf32>
    %dot_general3A_5 = tpu.matmul %get3A_1, %get3A_4, %dot_general3A {dimension_numbers = #tpu.dot_dimension_numbers<[1], [0], [0], [1], [0, 0, 1, 1], [], []>, transpose_lhs_hint = false} : vector<64x128xf32>, vector<128x128xf32>, vector<64x128xf32> -> vector<64x128xf32>
    %get3A_6 = arith.constant 0 : index
    %get3A_7 = arith.constant 0 : index
    %get3A_8 = vector.load %arg2[%get3A_6, %get3A_7] : memref<1x128xf32, #tpu.memory_space<vmem>>, vector<1x128xf32>
    %add3A = vector.broadcast %get3A_8 : vector<1x128xf32> to vector<64x128xf32>
    %add3A_9 = arith.addf %dot_general3A_5, %add3A : vector<64x128xf32>
    %max3A = arith.constant 0.000000e+00 : f32
    %max3A_10 = vector.broadcast %max3A : f32 to vector<64x128xf32>
    %max3A_11 = arith.maximumf %add3A_9, %max3A_10 : vector<64x128xf32>
    %get3A_12 = arith.constant 0 : index
    %get3A_13 = arith.constant 0 : index
    %get3A_14 = vector.load %arg3[%get3A_12, %get3A_13] : memref<128x1xf32, #tpu.memory_space<vmem>>, vector<128x1xf32>
    %dot_general3A_15 = arith.constant dense<0.000000e+00> : vector<64x1xf32>
    %dot_general3A_16 = tpu.matmul %max3A_11, %get3A_14, %dot_general3A_15 {dimension_numbers = #tpu.dot_dimension_numbers<[1], [0], [0], [1], [0, 0, 1, 1], [], []>, transpose_lhs_hint = false} : vector<64x128xf32>, vector<128x1xf32>, vector<64x1xf32> -> vector<64x1xf32>
    %get3A_17 = arith.constant 0 : index
    %get3A_18 = arith.constant 0 : index
    %get3A_19 = vector.load %arg4[%get3A_17, %get3A_18] : memref<1x1xf32, #tpu.memory_space<vmem>>, vector<1x1xf32>
    %add3A_20 = vector.broadcast %get3A_19 : vector<1x1xf32> to vector<64x1xf32>
    %add3A_21 = arith.addf %dot_general3A_16, %add3A_20 : vector<64x1xf32>
    %swap3A = arith.constant 0 : index
    %swap3A_22 = arith.constant 0 : index
    %swap3A_23 = vector.load %arg5[%swap3A, %swap3A_22] : memref<64x1xf32, #tpu.memory_space<vmem>>, vector<64x1xf32>
    tpu.vector_store %arg5[%swap3A, %swap3A_22], %add3A_21 {strides = array<i32>} : memref<64x1xf32, #tpu.memory_space<vmem>>, vector<64x1xf32>,
    return
  }
}

</mosaic_0001>

<sc_bundles>
// kernel: kernel.10.cloned.1.call-start
scs
__scs_entry_jumppad:
0x0: {  	(pc) =	sbr.rel $0x88, $3  }
0x1: {  	(tag) =	ssettag $0x0;
	lr =	simm.s32 $0x1  }
0x2: {  	[smem:$0x3F81] =	sst lr;
	_ =	strace $0xD0000000  }
0x3: {  	_ = 	snop  }
0x4: {  	_ = 	snop  }
0x5: {  	_ = 	snop  }
0x6: {  	_ = 	snop  }
0x7: {  	_ = 	snop  }
__scs_overlays_trampoline_lowered:
0x8: {  	[smem:$0x3F90] =	sst s0  }
0x9: {  	[smem:$0x3F91] =	sst s1  }
0xa: {  	[smem:$0x3F92] =	sst s2  }
0xb: {  	[smem:$0x3F93] =	sst s3  }
0xc: {  	[smem:$0x3F94] =	sst s4  }
0xd: {  	[smem:$0x3F95] =	sst s5  }
0xe: {  	[smem:$0x3F96] =	sst s6  }
0xf: {  	[smem:$0x3F97] =	sst s7  }
0x10: {  	[smem:$0x3F98] =	sst s8  }
0x11: {  	[smem:$0x3F99] =	sst s9;
	s0 =	simm.s32 @!p0 $0x0  }
0x12: {  	s1 =	sld [smem:$0x3F7F];
	s0 =	simm.s32 @p0 $0x1  }
0x13: {  	[smem:$0x3F9A] =	sst s0;
	s0 =	simm.s32 @!p1 $0x0  }
0x14: {  	s2 =	sld [smem:$0x3F7E];
	s0 =	simm.s32 @p1 $0x1  }
0x15: {  	[smem:$0x3F9B] =	sst s0;
	s0 =	simm.s32 @!p2 $0x0  }
0x16: {  	s3 =	sld [smem:$0x3FDB];
	s0 =	simm.s32 @p2 $0x1  }
0x17: {  	s4 =	simm.s32 $0x1BF5;
	[smem:$0x3F9D] =	sst s0  }
0x18: {  	s0 =	sld [smem:$0x3F80];
	_ =	swait.ge [sflag:s4], $0x0  }
0x19: {  	s7 =	sld [smem:$0x3F81]  }
0x1a: {  	s8 =	sadd.s32 $0xFFFFE003, lr  }
0x1b: {  	s9 =	sadd.s32 $0xFFFFFEF7, lr;
	s5 =	simm.s32 $0xFFFFFFFF;
	p2 =	slt.u32 s8, $0xFFFFF086  }
0x1c: {  	p1 =	slt.u32 s9, $0xF7A;
	s5 =	simm.s32 @!p2 $0x0  }
0x1d: {  	s5 =	simm.s32 @p1 $0x1;
	p0 =	seq.s32 s7, s2  }
0x1e: {  	s7 =	smul.u32 @!p0 $0xF7A, s2;
	p2 =	seq.s32 @!p0 s5, $0x0  }
0x1f: {  	s9 =	smul.u32 $0xF7A, s1;
	s8 =	simm.s32 @!p0 $0x1BF5;
	p2 =	por !p2, p0  }
0x20: {  	[sflag:s8] =	ssyncset.s32 @!p0 $0xFFFFF086;
	s6 =	sadd.s32 @!p0 s3, s7;
	s7 =	simm.s32 @!p0 $0x108  }
0x21: {  	s3 =	sadd.s32 s3, s9;
	s6 =	sadd.s32 @!p0 $0x88, s6;
	s7 =	simm.s32 @p2 $0x1082  }
0x22: {  	[simem:s7], [sflag:s8] =	dma.local @!p0 [hbm:s6], $0xF7A  }
0x23: {  	s9 =	sor.u32 $0xD0000000, s2;
	s6 =	simm.s32 $0x108;
	_ =	swait.ge @!p0 [sflag:s8], $0x0  }
0x24: {  	s3 =	sadd.s32 $0x88, s3;
	s6 =	simm.s32 @!p1 $0x1082;
	[sflag:s4] =	ssyncset.s32 $0xFFFFF086  }
0x25: {  	[simem:s6], [sflag:s4] =	dma.local [hbm:s3], $0xF7A  }
0x26: {  	[smem:$0x3F81] =	sst s1;
	(tag) =	ssettag s2;
	_ =	strace s9  }
0x27: {  	s1 =	sld [smem:$0x3F91]  }
0x28: {  	s2 =	sld [smem:$0x3F92]  }
0x29: {  	s4 =	sld [smem:$0x3F94]  }
0x2a: {  	p0 =	seq.s32 s5, $0x0;
	s5 =	sld [smem:$0x3F95]  }
0x2b: {  	s6 =	sld [smem:$0x3F96]  }
0x2c: {  	s7 =	sld [smem:$0x3F97]  }
0x2d: {  	s3 =	simm.s32 $0x108;
	s8 =	sld [smem:$0x3F98]  }
0x2e: {  	s3 =	simm.s32 @!p0 $0x1082;
	s9 =	sld [smem:$0x3F99]  }
0x2f: {  	lr =	sadd.s32 s0, s3;
	s0 =	sld [smem:$0x3F90]  }
0x30: {  	s3 =	sld [smem:$0x3F93]  }
0x31: {  	[smem:$0x3F9C] =	sst s10  }
0x32: {  	s10 =	sld [smem:$0x3F9A];
	_ =	sdelay $0x3  }
0x33: {  	p0 =	seq.s32 s10, $0x1;
	s10 =	sld [smem:$0x3F9C];
	_ =	sdelay $0x3  }
0x34: {  	[smem:$0x3F9C] =	sst s10  }
0x35: {  	s10 =	sld [smem:$0x3F9B];
	_ =	sdelay $0x3  }
0x36: {  	p1 =	seq.s32 s10, $0x1;
	s10 =	sld [smem:$0x3F9C];
	_ =	sdelay $0x3  }
0x37: {  	[smem:$0x3F9C] =	sst s10  }
0x38: {  	s10 =	sld [smem:$0x3F9D]  }
0x39: {  	_ = 	snop;
	(pc) =	sbr.ind lr, $3  }
0x3a: {  	_ = 	snop  }
0x3b: {  	_ = 	snop  }
0x3c: {  	p2 =	seq.s32 s10, $0x1;
	s10 =	sld [smem:$0x3F9C]  }
0x3d: {  	_ =	shalt  }
0x3e: {  	_ =	shalt  }
0x3f: {  	_ =	shalt  }
0x40: {  	_ =	shalt  }
0x41: {  	_ =	shalt  }
0x42: {  	_ =	shalt  }
0x43: {  	_ =	shalt  }
0x44: {  	_ =	shalt  }
0x45: {  	_ =	shalt  }
0x46: {  	_ =	shalt  }
0x47: {  	_ =	shalt  }
0x48: {  	_ =	shalt  }
0x49: {  	_ =	shalt  }
0x4a: {  	_ =	shalt  }
0x4b: {  	_ =	shalt  }
0x4c: {  	_ =	shalt  }
0x4d: {  	_ =	shalt  }
0x4e: {  	_ =	shalt  }
0x4f: {  	_ =	shalt  }
0x50: {  	_ =	shalt  }
0x51: {  	_ =	shalt  }
0x52: {  	_ =	shalt  }
0x53: {  	_ =	shalt  }
0x54: {  	_ =	shalt  }
0x55: {  	_ =	shalt  }
0x56: {  	_ =	shalt  }
0x57: {  	_ =	shalt  }
0x58: {  	_ =	shalt  }
0x59: {  	_ =	shalt  }
0x5a: {  	_ =	shalt  }
0x5b: {  	_ =	shalt  }
0x5c: {  	_ =	shalt  }
0x5d: {  	_ =	shalt  }
0x5e: {  	_ =	shalt  }
0x5f: {  	_ =	shalt  }
0x60: {  	_ =	shalt  }
0x61: {  	_ =	shalt  }
0x62: {  	_ =	shalt  }
0x63: {  	_ =	shalt  }
0x64: {  	_ =	shalt  }
0x65: {  	_ =	shalt  }
0x66: {  	_ =	shalt  }
0x67: {  	_ =	shalt  }
0x68: {  	_ =	shalt  }
0x69: {  	_ =	shalt  }
0x6a: {  	_ =	shalt  }
0x6b: {  	_ =	shalt  }
0x6c: {  	_ =	shalt  }
0x6d: {  	_ =	shalt  }
0x6e: {  	_ =	shalt  }
0x6f: {  	_ =	shalt  }
0x70: {  	_ =	shalt  }
0x71: {  	_ =	shalt  }
0x72: {  	_ =	shalt  }
0x73: {  	_ =	shalt  }
0x74: {  	_ =	shalt  }
0x75: {  	_ =	shalt  }
0x76: {  	_ =	shalt  }
0x77: {  	_ =	shalt  }
0x78: {  	_ =	shalt  }
0x79: {  	_ =	shalt  }
0x7a: {  	_ =	shalt  }
0x7b: {  	_ =	shalt  }
0x7c: {  	_ =	shalt  }
0x7d: {  	_ =	shalt  }
0x7e: {  	_ =	shalt  }
0x7f: {  	_ =	shalt  }
0x80: {  	_ =	shalt  }
0x81: {  	_ =	shalt  }
0x82: {  	_ =	shalt  }
0x83: {  	_ =	shalt  }
0x84: {  	_ =	shalt  }
0x85: {  	_ =	shalt  }
0x86: {  	_ =	shalt  }
0x87: {  	_ =	shalt  }
.Lfunc_end0:
.L_simem_size_0:
called_computation_lowered:
.L_overlay_start_0:
0x88: {  	s2 =	sld [smem:$0x3FD9]  }
0x89: {  	s3 =	sld [smem:$0x3FFE];
	_ =	sdelay $0x1  }
0x8a: {  	s1 =	srdreg.scid  }
0x8b: {  	s0 =	sand.u32 $0x1, s1  }
0x8c: {  	s14 =	sshll.u32 s0, $0xA;
	s2 =	sadd.s32 s3, s2  }
0x8d: {  	s2 =	sadd.s32 s2, s14  }
0x8e: {  	[smem:$0x3FA8] =	sst s2  }
0x8f: {  	_ = 	snop  }
0x90: {  	s2 =	sld [smem:$0x3FD0];
	_ =	sdelay $0x2  }
0x91: {  	s15 =	simm.s32 $0xA;
	s4 =	simm.s32 $0x10  }
0x92: {  	[smem:s4], [sflag:s15] =	dma.local [hbm:s2], $0x1  }
0x93: {  	_ =	swait.eq [sflag:s15], $0x1  }
0x94: {  	[sflag:s15] =	ssyncset.done $0x0  }
0x95: {  	[sflag:s15] =	ssyncadd.s32 $0xFFFFFFFF  }
0x96: {  	s16 =	sld [smem:$0x10];
	(tm) =	ssettm $0x1  }
0x97: {  	s17 =	sld [smem:$0x3FFB];
	_ =	sdelay $0x3  }
0x98: {  	_ =	strace s17  }
0x99: {  	s3 =	sld [smem:$0x3FFC];
	_ =	sdelay $0x3  }
0x9a: {  	_ =	strace s3  }
0x9b: {  	s3 =	sld [smem:$0x3FFD];
	_ =	sdelay $0x3  }
0x9c: {  	_ =	strace s3  }
0x9d: {  	_ =	strace $0x8FFFFFFF  }
0x9e: {  	s18 =	sld [smem:$0x3FDB];
	_ =	sdelay $0x1  }
0x9f: {  	s19 =	simm.s32 $_scs_section_size  }
0xa0: {  	s5 =	simm.s32 $_size__tile_overlayer_lowered;
	s6 =	simm.s32 $_tile_overlayer_lowered  }
0xa1: {  	s22 =	simm.s32 $0x1BFF;
	s21 =	sshll.u32 s6, $0x1;
	s3 =	sadd.s32 s19, s18  }
0xa2: {  	s7 =	simm.s32 $0x0;
	s20 =	sshll.u32 s5, $0x1;
	s5 =	sadd.s32 s21, s3  }
0xa3: {  	[timem:s7], [sflag:s22] =	dma.local [hbm:s5], s20  }
0xa4: {  	_ =	swait.ge [sflag:s22], s20  }
0xa5: {  	s4 =	ssub.s32 $0x0, s20;
	[sflag:s22] =	ssyncset.done $0x0  }
0xa6: {  	[sflag:s22] =	ssyncadd.s32 s4;
	_ =	sdelay $0x1  }
0xa7: {  	s23 =	simm.s32 $0x1B8B  }
0xa8: {  	_ =	swait.ge [sflag:s23], $0x1  }
0xa9: {  	[sflag:s23] =	ssyncset.done $0x0  }
0xaa: {  	s25 =	simm.s32 $0x1B8E;
	s24 =	sld [smem:$0x3FFE];
	[sflag:s23] =	ssyncadd.s32 $0xFFFFFFFF  }
0xab: {  	s26 =	simm.s32 $execute0_lowered;
	[smem:$0x3FD2] =	sst s25  }
0xac: {  	s5 =	sshll.u32 s26, $0x1;
	_ =	strace $0x80000046;
	[dreg:$0x1] =	wrdreg $0xFFFFFFFF  }
0xad: {  	s28 =	simm.s32 $_size_execute0_lowered;
	s3 =	sadd.s32 s3, s5;
	[dreg:$0x0] =	wrdreg $0x0  }
0xae: {  	s5 =	sshll.u32 s28, $0x1;
	[dreg:$0x2] =	wrdreg s3  }
0xaf: {  	[dreg:$0x3] =	wrdreg s5  }
0xb0: {  	[dreg:$0x4] =	wrdreg $0xC0  }
0xb1: {  	_ =	task [dreg:s7], $0x5FFFF  }
0xb2: {  	[dreg:$0x1] =	wrdreg $0xFFFFFFFF  }
0xb3: {  	[dreg:$0x0] =	wrdreg $0x60  }
0xb4: {  	[dreg:$0x2] =	wrdreg s24  }
0xb5: {  	[dreg:$0x3] =	wrdreg s16  }
0xb6: {  	[dreg:$0x4] =	wrdreg $0x81000  }
0xb7: {  	[dreg:$0x5] =	wrdreg $0x9  }
0xb8: {  	_ =	task.clear_ibuf [dreg:s7], $0x6FFFF;
	_ =	strace $0x90000046  }
0xb9: {  	s29 =	simm.s32 $0x9;
	_ =	strace $0x80000048  }
0xba: {  	_ =	swait.ge [sflag:s29], $0x1  }
0xbb: {  	[sflag:s29] =	ssyncadd.s32 $0xFFFFFFFF  }
0xbc: {  	_ =	strace $0x90000048  }
0xbd: {  	_ =	sfence  }
0xbe: {  	s30 =	sld [smem:$0x0];
	_ =	sdelay $0x2  }
0xbf: {  	s31 =	sshll.u32 s1, $0xD;
	s1 =	sshrl.u32 s1, $0x2  }
0xc0: {  	s3 =	sand.u32 $0x4000, s31;
	s1 =	sadd.s32 s1, s30  }
0xc1: {  	s0 =	sor.u32 s3, s0;
	s1 =	sshll.u32 s1, $0x11  }
0xc2: {  	s0 =	sor.u32 s1, s0  }
0xc3: {  	s0 =	sadd.s32 $0x8F2B, s0  }
0xc4: {  	[sflag:s0] =	ssyncadd.remote.s32 $0x1  }
0xc5: {  	_ =	sfence.sel $0xFFFF  }
0xc6: {  	[dreg:$0x0] =	wrdreg $0xFFFFFFFF;
	(pc) =	sbr.abs _section_cstart, $3  }
0xc7: {  	[dreg:$0x1] =	wrdreg $0xFFFFFFFF  }
0xc8: {  	_ =	task.clear_ibuf [dreg:s7], $0x2FFFF;
	_ =	strace $0x9FFFFFFF  }
0xc9: {  	(tm) =	ssettm $0x7FFFFFFF  }
tec
execute0_lowered:
.L_overlay_start_1:
0x0: {  	(tag) =	ssettag $0x1  }
0x1: {  	s5 =	srdreg.scid  }
0x2: {  	s5 =	sand.u32 $0x1, s5  }
0x3: {  	s7 =	stileid.u32;
	s9 =	ssub.s32 $0x2, s5  }
0x4: {  	s6 =	sshll.u32 s7, $0x9;
	s8 =	sshll.u32 s5, $0x8;
	s30 =	sshrl.u32 s9, $0x1  }
0x5: {  	s3 =	rddreg [dreg:$0x0];
	s6 =	sor.u32 s8, s6;
	s8 =	ssub.s32 s9, s30  }
0x6: {  	s4 =	rddreg [dreg:$0x1];
	s31 =	smax.u32 s8, $0x1  }
0x7: {  	s2 =	rddreg [dreg:$0x2];
	s12 =	sadd.s32 $0xFFFFFFFF, s31  }
0x8: {  	s0 =	rddreg [dreg:$0x3];
	s1 =	simm.s32 $0x0;
	p2 =	sne.s32 s12, $0x0  }
.Ltmp0:
0x9: {  	p1 =	por $0x0, $0x0;
	[smem:$0x7FF] =	sst s1;
	(pc) =	sbr.rel @!p2 .LBB2_3-.Ltmp0, $4  }
0xa: {  	p0 =	sne.s32 s7, $0x0;
	s7 =	simm.s32 $0x100;
	_ =	strace $0x80000047  }
0xb: {  	s5 =	sadd.s32 $0x3A00, s3;
	s10 =	sshll.u32 s6, $0x4;
	s6 =	sshrl.u32 s6, $0x3  }
0xc: {  	s9 =	sshrl.u32 @!p0 s2, $0x3;
	s3 =	sadd.s32 s10, s3;
	s6 =	sadd.s32 s4, s6  }
0xd: {  	s4 =	simm.s32 $0x2;
	s8 =	simm.s32 $0x1;
	s3 =	sadd.s32 $0x23A00, s3  }
0xe: {  	s10 =	simm.s32 @!p0 $0x1C02;
	s11 =	simm.s32 @!p0 $0x2  }
0xf: {  	[spmem:s9], [sflag:s10] =	dma.local @!p0 [hbm:s5], $0x20000  }
0x10: {  	_ =	swait.ge @!p0 [sflag:s11], $0x20000  }
0x11: {  	[sflag:s11] =	ssyncset.done @!p0 $0x0  }
0x12: {  	[sflag:s11] =	ssyncadd.s32 @!p0 $0xFFFE0000  }
0x13: {  	[bflag:$0x0] =	sbarrier.arrive $0xFFFF  }
0x14: {  	[tilespmem:s1], [sflag:$0x2] =	stream.linear.gather [hbm4b:s6+s1], $0x100, $0x38;
	[tilespmem:$0x18100] =	vst v63  }
0x15: {  	_ =	swait.ge [sflag:s4], $0x100  }
0x16: {  	[sflag:s4] =	ssyncset.done $0x0  }
0x17: {  	s12 =	sadd.s32 $0xFFFFFFFF, s12;
	[sflag:s4] =	ssyncadd.s32 $0xFFFFFF00  }
0x18: {  	[tilespmem:s7], [sflag:$0x1] =	stream.indirect.gather [spmem:s2], $0x80, s1, s7, $0xb8;
	[tilespmem:$0x18100] =	vst v63  }
0x19: {  	p2 =	sne.s32 s12, $0x0;
	_ =	swait.ge [sflag:s8], $0x8000  }
.Ltmp1:
0x1a: {  	[sflag:s8] =	ssyncset.done $0x0;
	(pc) =	sbr.rel @!p2 .LBB2_3-.Ltmp1, $4  }
0x1b: {  	[sflag:s8] =	ssyncadd.s32 $0xFFFF8000  }
0x1c: {  	[hbm4b:s3+s1] =	stream.linear.scatter [tilespmem:s7], [sflag:$0x2], $0x8000, $0x38;
	[tilespmem:$0x18100] =	vst v63  }
0x1d: {  	_ =	swait.ge [sflag:s4], $0x8000  }
0x1e: {  	p1 =	por $0x1, $0x1;
	[sflag:s4] =	ssyncset.done $0x0  }
.LBB2_2:
0x1f: {  	[sflag:s4] =	ssyncadd.s32 $0xFFFF8000  }
0x20: {  	[spmem:s9], [sflag:s10] =	dma.local @!p0 [hbm:s5], $0x20000  }
0x21: {  	s12 =	sadd.s32 $0xFFFFFFFF, s12;
	_ =	swait.ge @!p0 [sflag:s11], $0x20000  }
0x22: {  	p2 =	sne.s32 s12, $0x0;
	[sflag:s11] =	ssyncset.done @!p0 $0x0  }
0x23: {  	[sflag:s11] =	ssyncadd.s32 @!p0 $0xFFFE0000  }
0x24: {  	[bflag:$0x0] =	sbarrier.arrive $0xFFFF  }
0x25: {  	[tilespmem:s1], [sflag:$0x2] =	stream.linear.gather [hbm4b:s6+s1], $0x100, $0x38;
	[tilespmem:$0x18100] =	vst v63  }
0x26: {  	_ =	swait.ge [sflag:s4], $0x100  }
0x27: {  	[sflag:s4] =	ssyncset.done $0x0  }
0x28: {  	[sflag:s4] =	ssyncadd.s32 $0xFFFFFF00  }
0x29: {  	[tilespmem:s7], [sflag:$0x1] =	stream.indirect.gather [spmem:s2], $0x80, s1, s7, $0xb8;
	[tilespmem:$0x18100] =	vst v63  }
0x2a: {  	_ =	swait.ge [sflag:s8], $0x8000  }
.Ltmp2:
0x2b: {  	[sflag:s8] =	ssyncset.done $0x0;
	(pc) =	sbr.rel @p2 .LBB2_2-.Ltmp2, $4  }
0x2c: {  	[sflag:s8] =	ssyncadd.s32 $0xFFFF8000  }
0x2d: {  	[hbm4b:s3+s1] =	stream.linear.scatter [tilespmem:s7], [sflag:$0x2], $0x8000, $0x38;
	[tilespmem:$0x18100] =	vst v63  }
0x2e: {  	_ =	swait.ge [sflag:s4], $0x8000  }
0x2f: {  	[sflag:s4] =	ssyncset.done $0x0  }
.LBB2_3:
0x30: {  	s10 =	simm.s32 @!p0 $0x1C02;
	s11 =	simm.s32 @!p0 $0x2;
	[sflag:s4] =	ssyncadd.s32 @p1 $0xFFFF8000  }
0x31: {  	[spmem:s9], [sflag:s10] =	dma.local @!p0 [hbm:s5], $0x20000  }
0x32: {  	_ =	swait.ge @!p0 [sflag:s11], $0x20000  }
0x33: {  	[sflag:s11] =	ssyncset.done @!p0 $0x0  }
0x34: {  	[sflag:s11] =	ssyncadd.s32 @!p0 $0xFFFE0000  }
0x35: {  	[bflag:$0x0] =	sbarrier.arrive $0xFFFF  }
0x36: {  	[tilespmem:s1], [sflag:$0x2] =	stream.linear.gather [hbm4b:s6+s1], $0x100, $0x38;
	[tilespmem:$0x18100] =	vst v63  }
0x37: {  	_ =	swait.ge [sflag:s4], $0x100  }
0x38: {  	[sflag:s4] =	ssyncset.done $0x0  }
0x39: {  	[sflag:s4] =	ssyncadd.s32 $0xFFFFFF00  }
0x3a: {  	[tilespmem:s7], [sflag:$0x1] =	stream.indirect.gather [spmem:s2], $0x80, s1, s7, $0xb8;
	[tilespmem:$0x18100] =	vst v63  }
0x3b: {  	_ =	swait.ge [sflag:s8], $0x8000  }
0x3c: {  	[sflag:s8] =	ssyncset.done $0x0  }
0x3d: {  	[sflag:s8] =	ssyncadd.s32 $0xFFFF8000  }
0x3e: {  	[hbm4b:s3+s1] =	stream.linear.scatter [tilespmem:s7], [sflag:$0x2], $0x8000, $0x38;
	[tilespmem:$0x18100] =	vst v63  }
0x3f: {  	_ =	swait.ge [sflag:s4], $0x8000  }
0x40: {  	[sflag:s4] =	ssyncset.done $0x0  }
0x41: {  	[sflag:s4] =	ssyncadd.s32 $0xFFFF8000  }
0x42: {  	_ =	sfence.sel $0x180000  }
0x43: {  	[bflag:$0x0] =	sbarrier.arrive $0xFFFF  }
0x44: {  	_ =	strace $0x90000047  }
0x45: {  	s0 =	sadd.s32 @!p0 $0x100000, s0;
	[bflag:$0x2] =	sbarrier.arrive $0xFFFF  }
0x46: {  	[sflag:s0] =	ssyncadd.tile.s32 @!p0 $0x1;
	_ =	shalt  }
.Lfunc_end2:
_tile_overlayer_lowered:
.L_overlay_start_2:
0x47: {  	(tag) =	ssettag $0x2  }
0x48: {  	s0 =	rddreg [dreg:$0x0];
	s2 =	stileid.u32  }
0x49: {  	s1 =	rddreg [dreg:$0x1];
	p0 =	sne.s32 s2, $0x0  }
0x4a: {  	s3 =	rddreg [dreg:$0x2];
	[bflag:$0x3] =	sbarrier.arrive $0xFFFF;
	s2 =	simm.s32 @!p0 $0x1C02  }
0x4b: {  	[timem:s3], [sflag:s2] =	dma.local @!p0 [hbm:s0], s1  }
0x4c: {  	s0 =	simm.s32 @!p0 $0x2  }
0x4d: {  	_ =	swait.ge @!p0 [sflag:s0], s1  }
0x4e: {  	s1 =	ssub.s32 @!p0 $0x0, s1;
	[sflag:s0] =	ssyncset.done @!p0 $0x0  }
0x4f: {  	[sflag:s0] =	ssyncadd.s32 @!p0 s1  }
0x50: {  	[bflag:$0x3] =	sbarrier.arrive $0xFFFF  }
0x51: {  	_ =	shalt  }

</sc_bundles>
